<compile_context>
chip_gen: v7x
topology: tpu7x:2x2x1
jax: 0.10.2.dev20260603
libtpu: 0.0.44.dev20260713+nightly
codegen_flags: <defaults>
</compile_context>

<pallas_src>
import functools

import jax
import jax.numpy as jnp
from jax import lax
from jax.experimental import pallas as pl
from jax.experimental.pallas import tpu as pltpu
from jax.experimental.pallas import tpu_sc as plsc

N = 10000
NPAD = 10112
E = 320000
CHUNK = 128
NTILES = 16
NSC = 2
NW = NSC * NTILES
RPT = 80
EPAD = NW * RPT * CHUNK
DEGROWS = 2 * NPAD
DEGW = 16

_mesh = plsc.VectorSubcoreMesh(core_axis_name="c", subcore_axis_name="s")
_sc_params = pltpu.CompilerParams(use_tc_tiling_on_sc=False)


def _deg_body(src_hbm, dst_hbm, zeros_hbm, ones_hbm, out_hbm,
              src_v, dst_v, ones_v, deg_sh):
    c = lax.axis_index("c")
    s = lax.axis_index("s")
    wid = c * NTILES + s
    ri = DEGROWS // NTILES
    pltpu.sync_copy(zeros_hbm.at[pl.ds(s * ri, ri)],
                    deg_sh.at[pl.ds(s * ri, ri)])
    pltpu.sync_copy(ones_hbm, ones_v)
    base = wid * RPT
    pltpu.sync_copy(src_hbm.at[pl.ds(base, RPT)], src_v)
    pltpu.sync_copy(dst_hbm.at[pl.ds(base, RPT)], dst_v)
    plsc.subcore_barrier()

    def body(j, carry):
        pltpu.sync_copy(ones_v, deg_sh.at[src_v.at[j]], add=True)
        pltpu.sync_copy(ones_v, deg_sh.at[dst_v.at[j]], add=True)
        return carry

    lax.fori_loop(0, RPT, body, 0)
    plsc.subcore_barrier()
    pltpu.sync_copy(deg_sh.at[pl.ds(s * ri, ri)],
                    out_hbm.at[c, pl.ds(s * ri, ri)])


def _make_deg_kernel():
    return pl.kernel(
        _deg_body,
        out_type=jax.ShapeDtypeStruct((NSC, DEGROWS, DEGW), jnp.float32),
        mesh=_mesh,
        compiler_params=_sc_params,
        scratch_types=[
            pltpu.VMEM((RPT, CHUNK), jnp.int32),
            pltpu.VMEM((RPT, CHUNK), jnp.int32),
            pltpu.VMEM((CHUNK, DEGW), jnp.float32),
            pltpu.VMEM_SHARED((DEGROWS, DEGW), jnp.float32),
        ],
    )


def _agg_body(d, src_hbm, dst_hbm, h_hbm, zeros_hbm, out_hbm,
              src_v, dst_v, rows_v, agg_sh, sem):
    c = lax.axis_index("c")
    s = lax.axis_index("s")
    wid = c * NTILES + s
    ri = NPAD // NTILES
    pltpu.sync_copy(zeros_hbm.at[pl.ds(s * ri, ri)],
                    agg_sh.at[pl.ds(s * ri, ri)])
    base = wid * RPT
    pltpu.sync_copy(src_hbm.at[pl.ds(base, RPT)], src_v)
    pltpu.sync_copy(dst_hbm.at[pl.ds(base, RPT)], dst_v)
    plsc.subcore_barrier()

    def body(j, carry):
        pltpu.async_copy(h_hbm.at[src_v.at[j]], rows_v, sem).wait()
        pltpu.sync_copy(rows_v, agg_sh.at[dst_v.at[j]], add=True)
        return carry

    lax.fori_loop(0, RPT, body, 0)
    plsc.subcore_barrier()
    pltpu.sync_copy(agg_sh.at[pl.ds(s * ri, ri)],
                    out_hbm.at[c, pl.ds(s * ri, ri)])


def _make_agg_kernel(d):
    return pl.kernel(
        functools.partial(_agg_body, d),
        out_type=jax.ShapeDtypeStruct((NSC, NPAD, d), jnp.float32),
        mesh=_mesh,
        compiler_params=_sc_params,
        scratch_types=[
            pltpu.VMEM((RPT, CHUNK), jnp.int32),
            pltpu.VMEM((RPT, CHUNK), jnp.int32),
            pltpu.VMEM((CHUNK, d), jnp.float32),
            pltpu.VMEM_SHARED((NPAD, d), jnp.float32),
            pltpu.SemaphoreType.DMA,
        ],
    )


def _tc1_body(deg_ref, x_ref, w1_ref, h_ref, sin_ref, sout_ref):
    dsum = deg_ref[0] + deg_ref[1]
    dout = dsum[0:N, 0:1]
    din = dsum[NPAD:NPAD + N, 0:1]
    s_out = lax.rsqrt(jnp.maximum(dout, 1.0))
    s_in = lax.rsqrt(jnp.maximum(din, 1.0))
    h = x_ref[...] * s_out
    h_ref[...] = jnp.dot(h, w1_ref[...], preferred_element_type=jnp.float32)
    sin_ref[...] = s_in
    sout_ref[...] = s_out


def _tc_mid_body(p_ref, sin_ref, sout_ref, b_ref, w_ref, out_ref):
    agg = p_ref[0, 0:N] + p_ref[1, 0:N]
    h = jnp.maximum(agg * sin_ref[...] + b_ref[...], 0.0)
    out_ref[...] = jnp.dot(h * sout_ref[...], w_ref[...],
                           preferred_element_type=jnp.float32)


def _tc_final_body(p_ref, sin_ref, b_ref, wc_ref, bc_ref, out_ref):
    agg = p_ref[0, 0:N] + p_ref[1, 0:N]
    h = jnp.maximum(agg * sin_ref[...] + b_ref[...], 0.0)
    hg = jnp.mean(h, axis=0, keepdims=True)
    out_ref[...] = jnp.dot(hg, wc_ref[...],
                           preferred_element_type=jnp.float32) + bc_ref[...]


def kernel(x, edge_index, W1, b1, W2, b2, W3, b3, Wc, bc):
    src = edge_index[0]
    dst = edge_index[1]
    pad = EPAD - E
    src_g = jnp.concatenate([src, jnp.zeros((pad,), jnp.int32)]).reshape(-1, CHUNK)
    dst_s = jnp.concatenate([dst, jnp.full((pad,), N, jnp.int32)]).reshape(-1, CHUNK)
    src_d = jnp.concatenate([src, jnp.full((pad,), N, jnp.int32)]).reshape(-1, CHUNK)
    dst_d = dst_s + NPAD

    zdeg = jnp.zeros((DEGROWS, DEGW), jnp.float32)
    ones = jnp.ones((CHUNK, DEGW), jnp.float32)

    degp = _make_deg_kernel()(src_d, dst_d, zdeg, ones)

    h1, s_in, s_out = pl.pallas_call(
        _tc1_body,
        out_shape=(
            jax.ShapeDtypeStruct((N, 64), jnp.float32),
            jax.ShapeDtypeStruct((N, 1), jnp.float32),
            jax.ShapeDtypeStruct((N, 1), jnp.float32),
        ),
    )(degp, x, W1)

    p1 = _make_agg_kernel(64)(src_g, dst_s, h1, jnp.zeros((NPAD, 64), jnp.float32))
    h2 = pl.pallas_call(
        _tc_mid_body,
        out_shape=jax.ShapeDtypeStruct((N, 32), jnp.float32),
    )(p1, s_in, s_out, b1, W2)

    p2 = _make_agg_kernel(32)(src_g, dst_s, h2, jnp.zeros((NPAD, 32), jnp.float32))
    h3 = pl.pallas_call(
        _tc_mid_body,
        out_shape=jax.ShapeDtypeStruct((N, 16), jnp.float32),
    )(p2, s_in, s_out, b2, W3)

    p3 = _make_agg_kernel(16)(src_g, dst_s, h3, jnp.zeros((NPAD, 16), jnp.float32))
    out = pl.pallas_call(
        _tc_final_body,
        out_shape=jax.ShapeDtypeStruct((1, 1), jnp.float32),
    )(p3, s_in, b3, Wc, bc)

    return out.reshape((1,))

# --- scband reference (transcript-rebuilt; emitter-appended) ---
"""Pipeline reference for scband-malware-detector-63204738728607 (READ-ONLY COPY).

The authoritative reference and input builder live on the scoring server;
editing this copy changes nothing except your own understanding.
"""

import jax, jax.numpy as jnp
import numpy as np

N_NODES = 10000
N_EDGES = 320000
D_FEAT = 128
HIDDEN = [64, 32, 16]


def _graph_conv(x, src, dst, W, b, n_nodes):
    # DGL GraphConv with norm='both', activation=relu, allow_zero_in_degree=True
    deg_out = jnp.maximum(jnp.bincount(src, length=n_nodes).astype(x.dtype), 1.0)
    h = x * (deg_out ** -0.5)[:, None]
    h = h @ W  # apply weight before aggregation (mathematically equivalent either order)
    msgs = h[src]
    agg = jnp.zeros((n_nodes, h.shape[1]), dtype=h.dtype).at[dst].add(msgs)
    deg_in = jnp.maximum(jnp.bincount(dst, length=n_nodes).astype(x.dtype), 1.0)
    h = agg * (deg_in ** -0.5)[:, None] + b
    return jax.nn.relu(h)


def _glorot(key, fan_in, fan_out):
    limit = np.sqrt(6.0 / (fan_in + fan_out))
    return jax.random.uniform(key, (fan_in, fan_out), dtype=jnp.float32, minval=-limit, maxval=limit)


def setup_inputs(seed: int = 0) -> dict:
    key = jax.random.key(seed)
    ks = jax.random.split(key, 8)
    x = jax.random.normal(ks[0], (N_NODES, D_FEAT), dtype=jnp.float32)
    edge_index = jax.random.randint(ks[1], (2, N_EDGES), 0, N_NODES, dtype=jnp.int32)
    W1 = _glorot(ks[2], D_FEAT, HIDDEN[0])
    b1 = jnp.zeros((HIDDEN[0],), dtype=jnp.float32)
    W2 = _glorot(ks[3], HIDDEN[0], HIDDEN[1])
    b2 = jnp.zeros((HIDDEN[1],), dtype=jnp.float32)
    W3 = _glorot(ks[4], HIDDEN[1], HIDDEN[2])
    b3 = jnp.zeros((HIDDEN[2],), dtype=jnp.float32)
    Wc = _glorot(ks[5], HIDDEN[2], 1)
    bc = jnp.zeros((1,), dtype=jnp.float32)
    return {"x": x, "edge_index": edge_index, "W1": W1, "b1": b1, "W2": W2, "b2": b2, "W3": W3, "b3": b3, "Wc": Wc, "bc": bc}


def reference(x, edge_index, W1, b1, W2, b2, W3, b3, Wc, bc):
    n = x.shape[0]
    src = edge_index[0]
    dst = edge_index[1]
    h = _graph_conv(x, src, dst, W1, b1, n)
    h = _graph_conv(h, src, dst, W2, b2, n)
    h = _graph_conv(h, src, dst, W3, b3, n)
    # dgl.mean_nodes over a single (unbatched) graph -> [1, 16]
    hg = jnp.mean(h, axis=0, keepdims=True)
    logits = (hg @ Wc + bc).squeeze(-1)  # shape [1]
    return logits

if __name__ == "__main__":
    import jax
    _d = setup_inputs()
    print(jax.jit(kernel)(*tuple(_d.values())))

</pallas_src>

<mosaic_0001>
#map = affine_map<(d0, d1) -> (0, 0)>
#map1 = affine_map<(d0, d1) -> (0, 0, 0)>
module attributes {stable_mosaic.version = 14 : i64} {
  func.func @_agg_body(%arg0: i32, %arg1: i32, %arg2: memref<2560x128xi32, #tpu.memory_space<hbm>>, %arg3: memref<2560x128xi32, #tpu.memory_space<hbm>>, %arg4: memref<10000x32xf32, #tpu.memory_space<hbm>>, %arg5: memref<10112x32xf32, #tpu.memory_space<hbm>>, %arg6: memref<2x10112x32xf32, #tpu.memory_space<hbm>>, %arg7: memref<80x128xi32, #tpu.memory_space<vmem>>, %arg8: memref<80x128xi32, #tpu.memory_space<vmem>>, %arg9: memref<128x32xf32, #tpu.memory_space<vmem>>, %arg10: memref<10112x32xf32, #tpu.memory_space<vmem_shared>>, %arg11: memref<!tpu.dma_semaphore, #tpu.memory_space<semaphore_mem>>) attributes {dimension_semantics = [#tpu.dimension_semantics<core_parallel>, #tpu.dimension_semantics<subcore_parallel>], iteration_bounds = array<i64: 2, 16>, scalar_prefetch = 0 : i64, scratch_operands = 5 : i64, tpu.core_type = #tpu.core_type<sc_vector_subcore>, window_params = [{transform_indices = #map}, {transform_indices = #map}, {transform_indices = #map}, {transform_indices = #map}, {transform_indices = #map1}]} {
    %mul3A = arith.constant 16 : i32
    %mul3A_0 = arith.muli %arg0, %mul3A : i32
    %add3A = arith.addi %mul3A_0, %arg1 : i32
    %mul3A_1 = arith.constant 632 : i32
    %mul3A_2 = arith.muli %arg1, %mul3A_1 : i32
    %mul3A_3 = arith.constant 632 : i32
    %mul3A_4 = arith.muli %arg1, %mul3A_3 : i32
    "tpu.region"() ({
      %run_scoped3A = tpu.sem_alloc : memref<!tpu.dma_semaphore, #tpu.memory_space<semaphore_mem>>
      %dma_start3A = arith.constant 0 : i32
      %dma_start3A_17 = tpu.memref_slice %arg10[%mul3A_4, %dma_start3A] : memref<10112x32xf32, #tpu.memory_space<vmem_shared>> -> memref<632x32xf32, #tpu.memory_space<vmem_shared>>
      %dma_start3A_18 = arith.constant 0 : i32
      %dma_start3A_19 = tpu.memref_slice %arg5[%mul3A_2, %dma_start3A_18] : memref<10112x32xf32, #tpu.memory_space<hbm>> -> memref<632x32xf32, #tpu.memory_space<hbm>>
      tpu.enqueue_dma source(%dma_start3A_19 : memref<632x32xf32, #tpu.memory_space<hbm>>) target(%dma_start3A_17 : memref<632x32xf32, #tpu.memory_space<vmem_shared>>) target_semaphore(%run_scoped3A : memref<!tpu.dma_semaphore, #tpu.memory_space<semaphore_mem>>)
      %dma_wait3A = arith.constant 0 : i32
      %dma_wait3A_20 = tpu.memref_slice %arg10[%mul3A_4, %dma_wait3A] : memref<10112x32xf32, #tpu.memory_space<vmem_shared>> -> memref<632x32xf32, #tpu.memory_space<vmem_shared>>
      %dma_wait3A_21 = arith.constant 0 : i32
      %dma_wait3A_22 = tpu.memref_slice %arg5[%mul3A_2, %dma_wait3A_21] : memref<10112x32xf32, #tpu.memory_space<hbm>> -> memref<632x32xf32, #tpu.memory_space<hbm>>
      tpu.wait_dma2 semaphore(%run_scoped3A : memref<!tpu.dma_semaphore, #tpu.memory_space<semaphore_mem>>) src(%dma_wait3A_22 : memref<632x32xf32, #tpu.memory_space<hbm>>) dst(%dma_wait3A_20 : memref<632x32xf32, #tpu.memory_space<vmem_shared>>)
      tpu.yield
    }) : () -> ()
    %mul3A_5 = arith.constant 80 : i32
    %mul3A_6 = arith.muli %add3A, %mul3A_5 : i32
    "tpu.region"() ({
      %run_scoped3A = tpu.sem_alloc : memref<!tpu.dma_semaphore, #tpu.memory_space<semaphore_mem>>
      %dma_start3A = arith.constant 0 : i32
      %dma_start3A_17 = tpu.memref_slice %arg2[%mul3A_6, %dma_start3A] : memref<2560x128xi32, #tpu.memory_space<hbm>> -> memref<80x128xi32, #tpu.memory_space<hbm>>
      %dma_start3A_18 = arith.constant 0 : i32
      %dma_start3A_19 = tpu.memref_slice %arg2[%mul3A_6, %dma_start3A_18] : memref<2560x128xi32, #tpu.memory_space<hbm>> -> memref<80x128xi32, #tpu.memory_space<hbm>>
      tpu.enqueue_dma source(%dma_start3A_19 : memref<80x128xi32, #tpu.memory_space<hbm>>) target(%arg7 : memref<80x128xi32, #tpu.memory_space<vmem>>) target_semaphore(%run_scoped3A : memref<!tpu.dma_semaphore, #tpu.memory_space<semaphore_mem>>)
      %dma_wait3A = arith.constant 0 : i32
      %dma_wait3A_20 = tpu.memref_slice %arg2[%mul3A_6, %dma_wait3A] : memref<2560x128xi32, #tpu.memory_space<hbm>> -> memref<80x128xi32, #tpu.memory_space<hbm>>
      %dma_wait3A_21 = arith.constant 0 : i32
      %dma_wait3A_22 = tpu.memref_slice %arg2[%mul3A_6, %dma_wait3A_21] : memref<2560x128xi32, #tpu.memory_space<hbm>> -> memref<80x128xi32, #tpu.memory_space<hbm>>
      tpu.wait_dma2 semaphore(%run_scoped3A : memref<!tpu.dma_semaphore, #tpu.memory_space<semaphore_mem>>) src(%dma_wait3A_22 : memref<80x128xi32, #tpu.memory_space<hbm>>) dst(%arg7 : memref<80x128xi32, #tpu.memory_space<vmem>>)
      tpu.yield
    }) : () -> ()
    "tpu.region"() ({
      %run_scoped3A = tpu.sem_alloc : memref<!tpu.dma_semaphore, #tpu.memory_space<semaphore_mem>>
      %dma_start3A = arith.constant 0 : i32
      %dma_start3A_17 = tpu.memref_slice %arg3[%mul3A_6, %dma_start3A] : memref<2560x128xi32, #tpu.memory_space<hbm>> -> memref<80x128xi32, #tpu.memory_space<hbm>>
      %dma_start3A_18 = arith.constant 0 : i32
      %dma_start3A_19 = tpu.memref_slice %arg3[%mul3A_6, %dma_start3A_18] : memref<2560x128xi32, #tpu.memory_space<hbm>> -> memref<80x128xi32, #tpu.memory_space<hbm>>
      tpu.enqueue_dma source(%dma_start3A_19 : memref<80x128xi32, #tpu.memory_space<hbm>>) target(%arg8 : memref<80x128xi32, #tpu.memory_space<vmem>>) target_semaphore(%run_scoped3A : memref<!tpu.dma_semaphore, #tpu.memory_space<semaphore_mem>>)
      %dma_wait3A = arith.constant 0 : i32
      %dma_wait3A_20 = tpu.memref_slice %arg3[%mul3A_6, %dma_wait3A] : memref<2560x128xi32, #tpu.memory_space<hbm>> -> memref<80x128xi32, #tpu.memory_space<hbm>>
      %dma_wait3A_21 = arith.constant 0 : i32
      %dma_wait3A_22 = tpu.memref_slice %arg3[%mul3A_6, %dma_wait3A_21] : memref<2560x128xi32, #tpu.memory_space<hbm>> -> memref<80x128xi32, #tpu.memory_space<hbm>>
      tpu.wait_dma2 semaphore(%run_scoped3A : memref<!tpu.dma_semaphore, #tpu.memory_space<semaphore_mem>>) src(%dma_wait3A_22 : memref<80x128xi32, #tpu.memory_space<hbm>>) dst(%arg8 : memref<80x128xi32, #tpu.memory_space<vmem>>)
      tpu.yield
    }) : () -> ()
    %barrier3A = arith.constant 0 : index
    tpu.barrier barrier_id(%barrier3A)
    %scan3A = arith.constant 0 : i32
    %scan3A_7 = arith.constant 0 : i32
    %scan3A_8 = arith.constant 80 : i32
    %scan3A_9 = arith.addi %scan3A_7, %scan3A_8 : i32
    %scan3A_10 = arith.constant 1 : i32
    scf.for %scan3A_17 = %scan3A_7 to %scan3A_9 step %scan3A_10  : i32 {
      %dma_start3A = arith.constant 0 : i32
      %dma_start3A_18 = tpu.memref_slice %arg7[%scan3A_17, %dma_start3A] : memref<80x128xi32, #tpu.memory_space<vmem>> -> memref<1x128xi32, #tpu.memory_space<vmem>>
      %dma_start3A_19 = tpu.memref_squeeze %dma_start3A_18 : memref<1x128xi32, #tpu.memory_space<vmem>> -> memref<128xi32, #tpu.memory_space<vmem>>
      %dma_start3A_20 = arith.constant 0 : i32
      %dma_start3A_21 = arith.constant 0 : i32
      %dma_start3A_22 = tpu.memref_slice %arg4[%dma_start3A_20, %dma_start3A_21] : memref<10000x32xf32, #tpu.memory_space<hbm>> -> memref<10000x32xf32, #tpu.memory_space<hbm>>
      tpu.enqueue_indirect_dma source(%dma_start3A_22 : memref<10000x32xf32, #tpu.memory_space<hbm>>) target(%arg9 : memref<128x32xf32, #tpu.memory_space<vmem>>) offsets(%dma_start3A_19 : memref<128xi32, #tpu.memory_space<vmem>>) semaphore(%arg11 : memref<!tpu.dma_semaphore, #tpu.memory_space<semaphore_mem>>)
      %dma_wait3A = arith.constant 0 : i32
      %dma_wait3A_23 = tpu.memref_slice %arg7[%scan3A_17, %dma_wait3A] : memref<80x128xi32, #tpu.memory_space<vmem>> -> memref<1x128xi32, #tpu.memory_space<vmem>>
      %dma_wait3A_24 = tpu.memref_squeeze %dma_wait3A_23 : memref<1x128xi32, #tpu.memory_space<vmem>> -> memref<128xi32, #tpu.memory_space<vmem>>
      %dma_wait3A_25 = arith.constant 0 : i32
      %dma_wait3A_26 = arith.constant 0 : i32
      %dma_wait3A_27 = tpu.memref_slice %arg4[%dma_wait3A_25, %dma_wait3A_26] : memref<10000x32xf32, #tpu.memory_space<hbm>> -> memref<10000x32xf32, #tpu.memory_space<hbm>>
      tpu.wait_indirect_dma semaphore(%arg11 : memref<!tpu.dma_semaphore, #tpu.memory_space<semaphore_mem>>) src(%dma_wait3A_27 : memref<10000x32xf32, #tpu.memory_space<hbm>>) dst(%arg9 : memref<128x32xf32, #tpu.memory_space<vmem>>)
      "tpu.region"() ({
        %run_scoped3A = tpu.sem_alloc : memref<!tpu.dma_semaphore, #tpu.memory_space<semaphore_mem>>
        %dma_start3A_28 = arith.constant 0 : i32
        %dma_start3A_29 = tpu.memref_slice %arg8[%scan3A_17, %dma_start3A_28] : memref<80x128xi32, #tpu.memory_space<vmem>> -> memref<1x128xi32, #tpu.memory_space<vmem>>
        %dma_start3A_30 = tpu.memref_squeeze %dma_start3A_29 : memref<1x128xi32, #tpu.memory_space<vmem>> -> memref<128xi32, #tpu.memory_space<vmem>>
        %dma_start3A_31 = arith.constant 0 : i32
        %dma_start3A_32 = arith.constant 0 : i32
        %dma_start3A_33 = tpu.memref_slice %arg10[%dma_start3A_31, %dma_start3A_32] : memref<10112x32xf32, #tpu.memory_space<vmem_shared>> -> memref<10112x32xf32, #tpu.memory_space<vmem_shared>>
        tpu.enqueue_indirect_dma source(%arg9 : memref<128x32xf32, #tpu.memory_space<vmem>>) target(%dma_start3A_33 : memref<10112x32xf32, #tpu.memory_space<vmem_shared>>) offsets(%dma_start3A_30 : memref<128xi32, #tpu.memory_space<vmem>>) semaphore(%run_scoped3A : memref<!tpu.dma_semaphore, #tpu.memory_space<semaphore_mem>>) {add = true}
        %dma_wait3A_34 = arith.constant 0 : i32
        %dma_wait3A_35 = tpu.memref_slice %arg8[%scan3A_17, %dma_wait3A_34] : memref<80x128xi32, #tpu.memory_space<vmem>> -> memref<1x128xi32, #tpu.memory_space<vmem>>
        %dma_wait3A_36 = tpu.memref_squeeze %dma_wait3A_35 : memref<1x128xi32, #tpu.memory_space<vmem>> -> memref<128xi32, #tpu.memory_space<vmem>>
        %dma_wait3A_37 = arith.constant 0 : i32
        %dma_wait3A_38 = arith.constant 0 : i32
        %dma_wait3A_39 = tpu.memref_slice %arg10[%dma_wait3A_37, %dma_wait3A_38] : memref<10112x32xf32, #tpu.memory_space<vmem_shared>> -> memref<10112x32xf32, #tpu.memory_space<vmem_shared>>
        tpu.wait_indirect_dma semaphore(%run_scoped3A : memref<!tpu.dma_semaphore, #tpu.memory_space<semaphore_mem>>) src(%arg9 : memref<128x32xf32, #tpu.memory_space<vmem>>) dst(%dma_wait3A_39 : memref<10112x32xf32, #tpu.memory_space<vmem_shared>>)
        tpu.yield
      }) : () -> ()
    }
    %scan3A_11 = arith.constant 80 : i32
    %barrier3A_12 = arith.constant 0 : index
    tpu.barrier barrier_id(%barrier3A_12)
    %mul3A_13 = arith.constant 632 : i32
    %mul3A_14 = arith.muli %arg1, %mul3A_13 : i32
    %mul3A_15 = arith.constant 632 : i32
    %mul3A_16 = arith.muli %arg1, %mul3A_15 : i32
    "tpu.region"() ({
      %run_scoped3A = tpu.sem_alloc : memref<!tpu.dma_semaphore, #tpu.memory_space<semaphore_mem>>
      %dma_start3A = arith.constant 0 : i32
      %dma_start3A_17 = tpu.memref_slice %arg6[%arg0, %mul3A_16, %dma_start3A] : memref<2x10112x32xf32, #tpu.memory_space<hbm>> -> memref<1x632x32xf32, #tpu.memory_space<hbm>>
      %dma_start3A_18 = tpu.memref_squeeze %dma_start3A_17 : memref<1x632x32xf32, #tpu.memory_space<hbm>> -> memref<632x32xf32, #tpu.memory_space<hbm>>
      %dma_start3A_19 = arith.constant 0 : i32
      %dma_start3A_20 = tpu.memref_slice %arg10[%mul3A_14, %dma_start3A_19] : memref<10112x32xf32, #tpu.memory_space<vmem_shared>> -> memref<632x32xf32, #tpu.memory_space<vmem_shared>>
      tpu.enqueue_dma source(%dma_start3A_20 : memref<632x32xf32, #tpu.memory_space<vmem_shared>>) target(%dma_start3A_18 : memref<632x32xf32, #tpu.memory_space<hbm>>) target_semaphore(%run_scoped3A : memref<!tpu.dma_semaphore, #tpu.memory_space<semaphore_mem>>)
      %dma_wait3A = arith.constant 0 : i32
      %dma_wait3A_21 = tpu.memref_slice %arg6[%arg0, %mul3A_16, %dma_wait3A] : memref<2x10112x32xf32, #tpu.memory_space<hbm>> -> memref<1x632x32xf32, #tpu.memory_space<hbm>>
      %dma_wait3A_22 = tpu.memref_squeeze %dma_wait3A_21 : memref<1x632x32xf32, #tpu.memory_space<hbm>> -> memref<632x32xf32, #tpu.memory_space<hbm>>
      %dma_wait3A_23 = arith.constant 0 : i32
      %dma_wait3A_24 = tpu.memref_slice %arg10[%mul3A_14, %dma_wait3A_23] : memref<10112x32xf32, #tpu.memory_space<vmem_shared>> -> memref<632x32xf32, #tpu.memory_space<vmem_shared>>
      tpu.wait_dma2 semaphore(%run_scoped3A : memref<!tpu.dma_semaphore, #tpu.memory_space<semaphore_mem>>) src(%dma_wait3A_24 : memref<632x32xf32, #tpu.memory_space<vmem_shared>>) dst(%dma_wait3A_22 : memref<632x32xf32, #tpu.memory_space<hbm>>)
      tpu.yield
    }) : () -> ()
    return
  }
}

#map = affine_map<(d0, d1) -> (0, 0)>
#map1 = affine_map<(d0, d1) -> (0, 0, 0)>
module attributes {stable_mosaic.version = 14 : i64} {
  func.func @_agg_body(%arg0: i32, %arg1: i32, %arg2: memref<2560x128xi32, #tpu.memory_space<hbm>>, %arg3: memref<2560x128xi32, #tpu.memory_space<hbm>>, %arg4: memref<10000x64xf32, #tpu.memory_space<hbm>>, %arg5: memref<10112x64xf32, #tpu.memory_space<hbm>>, %arg6: memref<2x10112x64xf32, #tpu.memory_space<hbm>>, %arg7: memref<80x128xi32, #tpu.memory_space<vmem>>, %arg8: memref<80x128xi32, #tpu.memory_space<vmem>>, %arg9: memref<128x64xf32, #tpu.memory_space<vmem>>, %arg10: memref<10112x64xf32, #tpu.memory_space<vmem_shared>>, %arg11: memref<!tpu.dma_semaphore, #tpu.memory_space<semaphore_mem>>) attributes {dimension_semantics = [#tpu.dimension_semantics<core_parallel>, #tpu.dimension_semantics<subcore_parallel>], iteration_bounds = array<i64: 2, 16>, scalar_prefetch = 0 : i64, scratch_operands = 5 : i64, tpu.core_type = #tpu.core_type<sc_vector_subcore>, window_params = [{transform_indices = #map}, {transform_indices = #map}, {transform_indices = #map}, {transform_indices = #map}, {transform_indices = #map1}]} {
    %mul3A = arith.constant 16 : i32
    %mul3A_0 = arith.muli %arg0, %mul3A : i32
    %add3A = arith.addi %mul3A_0, %arg1 : i32
    %mul3A_1 = arith.constant 632 : i32
    %mul3A_2 = arith.muli %arg1, %mul3A_1 : i32
    %mul3A_3 = arith.constant 632 : i32
    %mul3A_4 = arith.muli %arg1, %mul3A_3 : i32
    "tpu.region"() ({
      %run_scoped3A = tpu.sem_alloc : memref<!tpu.dma_semaphore, #tpu.memory_space<semaphore_mem>>
      %dma_start3A = arith.constant 0 : i32
      %dma_start3A_17 = tpu.memref_slice %arg10[%mul3A_4, %dma_start3A] : memref<10112x64xf32, #tpu.memory_space<vmem_shared>> -> memref<632x64xf32, #tpu.memory_space<vmem_shared>>
      %dma_start3A_18 = arith.constant 0 : i32
      %dma_start3A_19 = tpu.memref_slice %arg5[%mul3A_2, %dma_start3A_18] : memref<10112x64xf32, #tpu.memory_space<hbm>> -> memref<632x64xf32, #tpu.memory_space<hbm>>
      tpu.enqueue_dma source(%dma_start3A_19 : memref<632x64xf32, #tpu.memory_space<hbm>>) target(%dma_start3A_17 : memref<632x64xf32, #tpu.memory_space<vmem_shared>>) target_semaphore(%run_scoped3A : memref<!tpu.dma_semaphore, #tpu.memory_space<semaphore_mem>>)
      %dma_wait3A = arith.constant 0 : i32
      %dma_wait3A_20 = tpu.memref_slice %arg10[%mul3A_4, %dma_wait3A] : memref<10112x64xf32, #tpu.memory_space<vmem_shared>> -> memref<632x64xf32, #tpu.memory_space<vmem_shared>>
      %dma_wait3A_21 = arith.constant 0 : i32
      %dma_wait3A_22 = tpu.memref_slice %arg5[%mul3A_2, %dma_wait3A_21] : memref<10112x64xf32, #tpu.memory_space<hbm>> -> memref<632x64xf32, #tpu.memory_space<hbm>>
      tpu.wait_dma2 semaphore(%run_scoped3A : memref<!tpu.dma_semaphore, #tpu.memory_space<semaphore_mem>>) src(%dma_wait3A_22 : memref<632x64xf32, #tpu.memory_space<hbm>>) dst(%dma_wait3A_20 : memref<632x64xf32, #tpu.memory_space<vmem_shared>>)
      tpu.yield
    }) : () -> ()
    %mul3A_5 = arith.constant 80 : i32
    %mul3A_6 = arith.muli %add3A, %mul3A_5 : i32
    "tpu.region"() ({
      %run_scoped3A = tpu.sem_alloc : memref<!tpu.dma_semaphore, #tpu.memory_space<semaphore_mem>>
      %dma_start3A = arith.constant 0 : i32
      %dma_start3A_17 = tpu.memref_slice %arg2[%mul3A_6, %dma_start3A] : memref<2560x128xi32, #tpu.memory_space<hbm>> -> memref<80x128xi32, #tpu.memory_space<hbm>>
      %dma_start3A_18 = arith.constant 0 : i32
      %dma_start3A_19 = tpu.memref_slice %arg2[%mul3A_6, %dma_start3A_18] : memref<2560x128xi32, #tpu.memory_space<hbm>> -> memref<80x128xi32, #tpu.memory_space<hbm>>
      tpu.enqueue_dma source(%dma_start3A_19 : memref<80x128xi32, #tpu.memory_space<hbm>>) target(%arg7 : memref<80x128xi32, #tpu.memory_space<vmem>>) target_semaphore(%run_scoped3A : memref<!tpu.dma_semaphore, #tpu.memory_space<semaphore_mem>>)
      %dma_wait3A = arith.constant 0 : i32
      %dma_wait3A_20 = tpu.memref_slice %arg2[%mul3A_6, %dma_wait3A] : memref<2560x128xi32, #tpu.memory_space<hbm>> -> memref<80x128xi32, #tpu.memory_space<hbm>>
      %dma_wait3A_21 = arith.constant 0 : i32
      %dma_wait3A_22 = tpu.memref_slice %arg2[%mul3A_6, %dma_wait3A_21] : memref<2560x128xi32, #tpu.memory_space<hbm>> -> memref<80x128xi32, #tpu.memory_space<hbm>>
      tpu.wait_dma2 semaphore(%run_scoped3A : memref<!tpu.dma_semaphore, #tpu.memory_space<semaphore_mem>>) src(%dma_wait3A_22 : memref<80x128xi32, #tpu.memory_space<hbm>>) dst(%arg7 : memref<80x128xi32, #tpu.memory_space<vmem>>)
      tpu.yield
    }) : () -> ()
    "tpu.region"() ({
      %run_scoped3A = tpu.sem_alloc : memref<!tpu.dma_semaphore, #tpu.memory_space<semaphore_mem>>
      %dma_start3A = arith.constant 0 : i32
      %dma_start3A_17 = tpu.memref_slice %arg3[%mul3A_6, %dma_start3A] : memref<2560x128xi32, #tpu.memory_space<hbm>> -> memref<80x128xi32, #tpu.memory_space<hbm>>
      %dma_start3A_18 = arith.constant 0 : i32
      %dma_start3A_19 = tpu.memref_slice %arg3[%mul3A_6, %dma_start3A_18] : memref<2560x128xi32, #tpu.memory_space<hbm>> -> memref<80x128xi32, #tpu.memory_space<hbm>>
      tpu.enqueue_dma source(%dma_start3A_19 : memref<80x128xi32, #tpu.memory_space<hbm>>) target(%arg8 : memref<80x128xi32, #tpu.memory_space<vmem>>) target_semaphore(%run_scoped3A : memref<!tpu.dma_semaphore, #tpu.memory_space<semaphore_mem>>)
      %dma_wait3A = arith.constant 0 : i32
      %dma_wait3A_20 = tpu.memref_slice %arg3[%mul3A_6, %dma_wait3A] : memref<2560x128xi32, #tpu.memory_space<hbm>> -> memref<80x128xi32, #tpu.memory_space<hbm>>
      %dma_wait3A_21 = arith.constant 0 : i32
      %dma_wait3A_22 = tpu.memref_slice %arg3[%mul3A_6, %dma_wait3A_21] : memref<2560x128xi32, #tpu.memory_space<hbm>> -> memref<80x128xi32, #tpu.memory_space<hbm>>
      tpu.wait_dma2 semaphore(%run_scoped3A : memref<!tpu.dma_semaphore, #tpu.memory_space<semaphore_mem>>) src(%dma_wait3A_22 : memref<80x128xi32, #tpu.memory_space<hbm>>) dst(%arg8 : memref<80x128xi32, #tpu.memory_space<vmem>>)
      tpu.yield
    }) : () -> ()
    %barrier3A = arith.constant 0 : index
    tpu.barrier barrier_id(%barrier3A)
    %scan3A = arith.constant 0 : i32
    %scan3A_7 = arith.constant 0 : i32
    %scan3A_8 = arith.constant 80 : i32
    %scan3A_9 = arith.addi %scan3A_7, %scan3A_8 : i32
    %scan3A_10 = arith.constant 1 : i32
    scf.for %scan3A_17 = %scan3A_7 to %scan3A_9 step %scan3A_10  : i32 {
      %dma_start3A = arith.constant 0 : i32
      %dma_start3A_18 = tpu.memref_slice %arg7[%scan3A_17, %dma_start3A] : memref<80x128xi32, #tpu.memory_space<vmem>> -> memref<1x128xi32, #tpu.memory_space<vmem>>
      %dma_start3A_19 = tpu.memref_squeeze %dma_start3A_18 : memref<1x128xi32, #tpu.memory_space<vmem>> -> memref<128xi32, #tpu.memory_space<vmem>>
      %dma_start3A_20 = arith.constant 0 : i32
      %dma_start3A_21 = arith.constant 0 : i32
      %dma_start3A_22 = tpu.memref_slice %arg4[%dma_start3A_20, %dma_start3A_21] : memref<10000x64xf32, #tpu.memory_space<hbm>> -> memref<10000x64xf32, #tpu.memory_space<hbm>>
      tpu.enqueue_indirect_dma source(%dma_start3A_22 : memref<10000x64xf32, #tpu.memory_space<hbm>>) target(%arg9 : memref<128x64xf32, #tpu.memory_space<vmem>>) offsets(%dma_start3A_19 : memref<128xi32, #tpu.memory_space<vmem>>) semaphore(%arg11 : memref<!tpu.dma_semaphore, #tpu.memory_space<semaphore_mem>>)
      %dma_wait3A = arith.constant 0 : i32
      %dma_wait3A_23 = tpu.memref_slice %arg7[%scan3A_17, %dma_wait3A] : memref<80x128xi32, #tpu.memory_space<vmem>> -> memref<1x128xi32, #tpu.memory_space<vmem>>
      %dma_wait3A_24 = tpu.memref_squeeze %dma_wait3A_23 : memref<1x128xi32, #tpu.memory_space<vmem>> -> memref<128xi32, #tpu.memory_space<vmem>>
      %dma_wait3A_25 = arith.constant 0 : i32
      %dma_wait3A_26 = arith.constant 0 : i32
      %dma_wait3A_27 = tpu.memref_slice %arg4[%dma_wait3A_25, %dma_wait3A_26] : memref<10000x64xf32, #tpu.memory_space<hbm>> -> memref<10000x64xf32, #tpu.memory_space<hbm>>
      tpu.wait_indirect_dma semaphore(%arg11 : memref<!tpu.dma_semaphore, #tpu.memory_space<semaphore_mem>>) src(%dma_wait3A_27 : memref<10000x64xf32, #tpu.memory_space<hbm>>) dst(%arg9 : memref<128x64xf32, #tpu.memory_space<vmem>>)
      "tpu.region"() ({
        %run_scoped3A = tpu.sem_alloc : memref<!tpu.dma_semaphore, #tpu.memory_space<semaphore_mem>>
        %dma_start3A_28 = arith.constant 0 : i32
        %dma_start3A_29 = tpu.memref_slice %arg8[%scan3A_17, %dma_start3A_28] : memref<80x128xi32, #tpu.memory_space<vmem>> -> memref<1x128xi32, #tpu.memory_space<vmem>>
        %dma_start3A_30 = tpu.memref_squeeze %dma_start3A_29 : memref<1x128xi32, #tpu.memory_space<vmem>> -> memref<128xi32, #tpu.memory_space<vmem>>
        %dma_start3A_31 = arith.constant 0 : i32
        %dma_start3A_32 = arith.constant 0 : i32
        %dma_start3A_33 = tpu.memref_slice %arg10[%dma_start3A_31, %dma_start3A_32] : memref<10112x64xf32, #tpu.memory_space<vmem_shared>> -> memref<10112x64xf32, #tpu.memory_space<vmem_shared>>
        tpu.enqueue_indirect_dma source(%arg9 : memref<128x64xf32, #tpu.memory_space<vmem>>) target(%dma_start3A_33 : memref<10112x64xf32, #tpu.memory_space<vmem_shared>>) offsets(%dma_start3A_30 : memref<128xi32, #tpu.memory_space<vmem>>) semaphore(%run_scoped3A : memref<!tpu.dma_semaphore, #tpu.memory_space<semaphore_mem>>) {add = true}
        %dma_wait3A_34 = arith.constant 0 : i32
        %dma_wait3A_35 = tpu.memref_slice %arg8[%scan3A_17, %dma_wait3A_34] : memref<80x128xi32, #tpu.memory_space<vmem>> -> memref<1x128xi32, #tpu.memory_space<vmem>>
        %dma_wait3A_36 = tpu.memref_squeeze %dma_wait3A_35 : memref<1x128xi32, #tpu.memory_space<vmem>> -> memref<128xi32, #tpu.memory_space<vmem>>
        %dma_wait3A_37 = arith.constant 0 : i32
        %dma_wait3A_38 = arith.constant 0 : i32
        %dma_wait3A_39 = tpu.memref_slice %arg10[%dma_wait3A_37, %dma_wait3A_38] : memref<10112x64xf32, #tpu.memory_space<vmem_shared>> -> memref<10112x64xf32, #tpu.memory_space<vmem_shared>>
        tpu.wait_indirect_dma semaphore(%run_scoped3A : memref<!tpu.dma_semaphore, #tpu.memory_space<semaphore_mem>>) src(%arg9 : memref<128x64xf32, #tpu.memory_space<vmem>>) dst(%dma_wait3A_39 : memref<10112x64xf32, #tpu.memory_space<vmem_shared>>)
        tpu.yield
      }) : () -> ()
    }
    %scan3A_11 = arith.constant 80 : i32
    %barrier3A_12 = arith.constant 0 : index
    tpu.barrier barrier_id(%barrier3A_12)
    %mul3A_13 = arith.constant 632 : i32
    %mul3A_14 = arith.muli %arg1, %mul3A_13 : i32
    %mul3A_15 = arith.constant 632 : i32
    %mul3A_16 = arith.muli %arg1, %mul3A_15 : i32
    "tpu.region"() ({
      %run_scoped3A = tpu.sem_alloc : memref<!tpu.dma_semaphore, #tpu.memory_space<semaphore_mem>>
      %dma_start3A = arith.constant 0 : i32
      %dma_start3A_17 = tpu.memref_slice %arg6[%arg0, %mul3A_16, %dma_start3A] : memref<2x10112x64xf32, #tpu.memory_space<hbm>> -> memref<1x632x64xf32, #tpu.memory_space<hbm>>
      %dma_start3A_18 = tpu.memref_squeeze %dma_start3A_17 : memref<1x632x64xf32, #tpu.memory_space<hbm>> -> memref<632x64xf32, #tpu.memory_space<hbm>>
      %dma_start3A_19 = arith.constant 0 : i32
      %dma_start3A_20 = tpu.memref_slice %arg10[%mul3A_14, %dma_start3A_19] : memref<10112x64xf32, #tpu.memory_space<vmem_shared>> -> memref<632x64xf32, #tpu.memory_space<vmem_shared>>
      tpu.enqueue_dma source(%dma_start3A_20 : memref<632x64xf32, #tpu.memory_space<vmem_shared>>) target(%dma_start3A_18 : memref<632x64xf32, #tpu.memory_space<hbm>>) target_semaphore(%run_scoped3A : memref<!tpu.dma_semaphore, #tpu.memory_space<semaphore_mem>>)
      %dma_wait3A = arith.constant 0 : i32
      %dma_wait3A_21 = tpu.memref_slice %arg6[%arg0, %mul3A_16, %dma_wait3A] : memref<2x10112x64xf32, #tpu.memory_space<hbm>> -> memref<1x632x64xf32, #tpu.memory_space<hbm>>
      %dma_wait3A_22 = tpu.memref_squeeze %dma_wait3A_21 : memref<1x632x64xf32, #tpu.memory_space<hbm>> -> memref<632x64xf32, #tpu.memory_space<hbm>>
      %dma_wait3A_23 = arith.constant 0 : i32
      %dma_wait3A_24 = tpu.memref_slice %arg10[%mul3A_14, %dma_wait3A_23] : memref<10112x64xf32, #tpu.memory_space<vmem_shared>> -> memref<632x64xf32, #tpu.memory_space<vmem_shared>>
      tpu.wait_dma2 semaphore(%run_scoped3A : memref<!tpu.dma_semaphore, #tpu.memory_space<semaphore_mem>>) src(%dma_wait3A_24 : memref<632x64xf32, #tpu.memory_space<vmem_shared>>) dst(%dma_wait3A_22 : memref<632x64xf32, #tpu.memory_space<hbm>>)
      tpu.yield
    }) : () -> ()
    return
  }
}

#map = affine_map<(d0, d1) -> (0, 0)>
#map1 = affine_map<(d0, d1) -> (0, 0, 0)>
module attributes {stable_mosaic.version = 14 : i64} {
  func.func @_deg_body(%arg0: i32, %arg1: i32, %arg2: memref<2560x128xi32, #tpu.memory_space<hbm>>, %arg3: memref<2560x128xi32, #tpu.memory_space<hbm>>, %arg4: memref<20224x16xf32, #tpu.memory_space<hbm>>, %arg5: memref<128x16xf32, #tpu.memory_space<hbm>>, %arg6: memref<2x20224x16xf32, #tpu.memory_space<hbm>>, %arg7: memref<80x128xi32, #tpu.memory_space<vmem>>, %arg8: memref<80x128xi32, #tpu.memory_space<vmem>>, %arg9: memref<128x16xf32, #tpu.memory_space<vmem>>, %arg10: memref<20224x16xf32, #tpu.memory_space<vmem_shared>>) attributes {dimension_semantics = [#tpu.dimension_semantics<core_parallel>, #tpu.dimension_semantics<subcore_parallel>], iteration_bounds = array<i64: 2, 16>, scalar_prefetch = 0 : i64, scratch_operands = 4 : i64, tpu.core_type = #tpu.core_type<sc_vector_subcore>, window_params = [{transform_indices = #map}, {transform_indices = #map}, {transform_indices = #map}, {transform_indices = #map}, {transform_indices = #map1}]} {
    %mul3A = arith.constant 16 : i32
    %mul3A_0 = arith.muli %arg0, %mul3A : i32
    %add3A = arith.addi %mul3A_0, %arg1 : i32
    %mul3A_1 = arith.constant 1264 : i32
    %mul3A_2 = arith.muli %arg1, %mul3A_1 : i32
    %mul3A_3 = arith.constant 1264 : i32
    %mul3A_4 = arith.muli %arg1, %mul3A_3 : i32
    "tpu.region"() ({
      %run_scoped3A = tpu.sem_alloc : memref<!tpu.dma_semaphore, #tpu.memory_space<semaphore_mem>>
      %dma_start3A = arith.constant 0 : i32
      %dma_start3A_17 = tpu.memref_slice %arg10[%mul3A_4, %dma_start3A] : memref<20224x16xf32, #tpu.memory_space<vmem_shared>> -> memref<1264x16xf32, #tpu.memory_space<vmem_shared>>
      %dma_start3A_18 = arith.constant 0 : i32
      %dma_start3A_19 = tpu.memref_slice %arg4[%mul3A_2, %dma_start3A_18] : memref<20224x16xf32, #tpu.memory_space<hbm>> -> memref<1264x16xf32, #tpu.memory_space<hbm>>
      tpu.enqueue_dma source(%dma_start3A_19 : memref<1264x16xf32, #tpu.memory_space<hbm>>) target(%dma_start3A_17 : memref<1264x16xf32, #tpu.memory_space<vmem_shared>>) target_semaphore(%run_scoped3A : memref<!tpu.dma_semaphore, #tpu.memory_space<semaphore_mem>>)
      %dma_wait3A = arith.constant 0 : i32
      %dma_wait3A_20 = tpu.memref_slice %arg10[%mul3A_4, %dma_wait3A] : memref<20224x16xf32, #tpu.memory_space<vmem_shared>> -> memref<1264x16xf32, #tpu.memory_space<vmem_shared>>
      %dma_wait3A_21 = arith.constant 0 : i32
      %dma_wait3A_22 = tpu.memref_slice %arg4[%mul3A_2, %dma_wait3A_21] : memref<20224x16xf32, #tpu.memory_space<hbm>> -> memref<1264x16xf32, #tpu.memory_space<hbm>>
      tpu.wait_dma2 semaphore(%run_scoped3A : memref<!tpu.dma_semaphore, #tpu.memory_space<semaphore_mem>>) src(%dma_wait3A_22 : memref<1264x16xf32, #tpu.memory_space<hbm>>) dst(%dma_wait3A_20 : memref<1264x16xf32, #tpu.memory_space<vmem_shared>>)
      tpu.yield
    }) : () -> ()
    "tpu.region"() ({
      %run_scoped3A = tpu.sem_alloc : memref<!tpu.dma_semaphore, #tpu.memory_space<semaphore_mem>>
      tpu.enqueue_dma source(%arg5 : memref<128x16xf32, #tpu.memory_space<hbm>>) target(%arg9 : memref<128x16xf32, #tpu.memory_space<vmem>>) target_semaphore(%run_scoped3A : memref<!tpu.dma_semaphore, #tpu.memory_space<semaphore_mem>>)
      tpu.wait_dma2 semaphore(%run_scoped3A : memref<!tpu.dma_semaphore, #tpu.memory_space<semaphore_mem>>) src(%arg5 : memref<128x16xf32, #tpu.memory_space<hbm>>) dst(%arg9 : memref<128x16xf32, #tpu.memory_space<vmem>>)
      tpu.yield
    }) : () -> ()
    %mul3A_5 = arith.constant 80 : i32
    %mul3A_6 = arith.muli %add3A, %mul3A_5 : i32
    "tpu.region"() ({
      %run_scoped3A = tpu.sem_alloc : memref<!tpu.dma_semaphore, #tpu.memory_space<semaphore_mem>>
      %dma_start3A = arith.constant 0 : i32
      %dma_start3A_17 = tpu.memref_slice %arg2[%mul3A_6, %dma_start3A] : memref<2560x128xi32, #tpu.memory_space<hbm>> -> memref<80x128xi32, #tpu.memory_space<hbm>>
      %dma_start3A_18 = arith.constant 0 : i32
      %dma_start3A_19 = tpu.memref_slice %arg2[%mul3A_6, %dma_start3A_18] : memref<2560x128xi32, #tpu.memory_space<hbm>> -> memref<80x128xi32, #tpu.memory_space<hbm>>
      tpu.enqueue_dma source(%dma_start3A_19 : memref<80x128xi32, #tpu.memory_space<hbm>>) target(%arg7 : memref<80x128xi32, #tpu.memory_space<vmem>>) target_semaphore(%run_scoped3A : memref<!tpu.dma_semaphore, #tpu.memory_space<semaphore_mem>>)
      %dma_wait3A = arith.constant 0 : i32
      %dma_wait3A_20 = tpu.memref_slice %arg2[%mul3A_6, %dma_wait3A] : memref<2560x128xi32, #tpu.memory_space<hbm>> -> memref<80x128xi32, #tpu.memory_space<hbm>>
      %dma_wait3A_21 = arith.constant 0 : i32
      %dma_wait3A_22 = tpu.memref_slice %arg2[%mul3A_6, %dma_wait3A_21] : memref<2560x128xi32, #tpu.memory_space<hbm>> -> memref<80x128xi32, #tpu.memory_space<hbm>>
      tpu.wait_dma2 semaphore(%run_scoped3A : memref<!tpu.dma_semaphore, #tpu.memory_space<semaphore_mem>>) src(%dma_wait3A_22 : memref<80x128xi32, #tpu.memory_space<hbm>>) dst(%arg7 : memref<80x128xi32, #tpu.memory_space<vmem>>)
      tpu.yield
    }) : () -> ()
    "tpu.region"() ({
      %run_scoped3A = tpu.sem_alloc : memref<!tpu.dma_semaphore, #tpu.memory_space<semaphore_mem>>
      %dma_start3A = arith.constant 0 : i32
      %dma_start3A_17 = tpu.memref_slice %arg3[%mul3A_6, %dma_start3A] : memref<2560x128xi32, #tpu.memory_space<hbm>> -> memref<80x128xi32, #tpu.memory_space<hbm>>
      %dma_start3A_18 = arith.constant 0 : i32
      %dma_start3A_19 = tpu.memref_slice %arg3[%mul3A_6, %dma_start3A_18] : memref<2560x128xi32, #tpu.memory_space<hbm>> -> memref<80x128xi32, #tpu.memory_space<hbm>>
      tpu.enqueue_dma source(%dma_start3A_19 : memref<80x128xi32, #tpu.memory_space<hbm>>) target(%arg8 : memref<80x128xi32, #tpu.memory_space<vmem>>) target_semaphore(%run_scoped3A : memref<!tpu.dma_semaphore, #tpu.memory_space<semaphore_mem>>)
      %dma_wait3A = arith.constant 0 : i32
      %dma_wait3A_20 = tpu.memref_slice %arg3[%mul3A_6, %dma_wait3A] : memref<2560x128xi32, #tpu.memory_space<hbm>> -> memref<80x128xi32, #tpu.memory_space<hbm>>
      %dma_wait3A_21 = arith.constant 0 : i32
      %dma_wait3A_22 = tpu.memref_slice %arg3[%mul3A_6, %dma_wait3A_21] : memref<2560x128xi32, #tpu.memory_space<hbm>> -> memref<80x128xi32, #tpu.memory_space<hbm>>
      tpu.wait_dma2 semaphore(%run_scoped3A : memref<!tpu.dma_semaphore, #tpu.memory_space<semaphore_mem>>) src(%dma_wait3A_22 : memref<80x128xi32, #tpu.memory_space<hbm>>) dst(%arg8 : memref<80x128xi32, #tpu.memory_space<vmem>>)
      tpu.yield
    }) : () -> ()
    %barrier3A = arith.constant 0 : index
    tpu.barrier barrier_id(%barrier3A)
    %scan3A = arith.constant 0 : i32
    %scan3A_7 = arith.constant 0 : i32
    %scan3A_8 = arith.constant 80 : i32
    %scan3A_9 = arith.addi %scan3A_7, %scan3A_8 : i32
    %scan3A_10 = arith.constant 1 : i32
    scf.for %scan3A_17 = %scan3A_7 to %scan3A_9 step %scan3A_10  : i32 {
      "tpu.region"() ({
        %run_scoped3A = tpu.sem_alloc : memref<!tpu.dma_semaphore, #tpu.memory_space<semaphore_mem>>
        %dma_start3A = arith.constant 0 : i32
        %dma_start3A_18 = tpu.memref_slice %arg7[%scan3A_17, %dma_start3A] : memref<80x128xi32, #tpu.memory_space<vmem>> -> memref<1x128xi32, #tpu.memory_space<vmem>>
        %dma_start3A_19 = tpu.memref_squeeze %dma_start3A_18 : memref<1x128xi32, #tpu.memory_space<vmem>> -> memref<128xi32, #tpu.memory_space<vmem>>
        %dma_start3A_20 = arith.constant 0 : i32
        %dma_start3A_21 = arith.constant 0 : i32
        %dma_start3A_22 = tpu.memref_slice %arg10[%dma_start3A_20, %dma_start3A_21] : memref<20224x16xf32, #tpu.memory_space<vmem_shared>> -> memref<20224x16xf32, #tpu.memory_space<vmem_shared>>
        tpu.enqueue_indirect_dma source(%arg9 : memref<128x16xf32, #tpu.memory_space<vmem>>) target(%dma_start3A_22 : memref<20224x16xf32, #tpu.memory_space<vmem_shared>>) offsets(%dma_start3A_19 : memref<128xi32, #tpu.memory_space<vmem>>) semaphore(%run_scoped3A : memref<!tpu.dma_semaphore, #tpu.memory_space<semaphore_mem>>) {add = true}
        %dma_wait3A = arith.constant 0 : i32
        %dma_wait3A_23 = tpu.memref_slice %arg7[%scan3A_17, %dma_wait3A] : memref<80x128xi32, #tpu.memory_space<vmem>> -> memref<1x128xi32, #tpu.memory_space<vmem>>
        %dma_wait3A_24 = tpu.memref_squeeze %dma_wait3A_23 : memref<1x128xi32, #tpu.memory_space<vmem>> -> memref<128xi32, #tpu.memory_space<vmem>>
        %dma_wait3A_25 = arith.constant 0 : i32
        %dma_wait3A_26 = arith.constant 0 : i32
        %dma_wait3A_27 = tpu.memref_slice %arg10[%dma_wait3A_25, %dma_wait3A_26] : memref<20224x16xf32, #tpu.memory_space<vmem_shared>> -> memref<20224x16xf32, #tpu.memory_space<vmem_shared>>
        tpu.wait_indirect_dma semaphore(%run_scoped3A : memref<!tpu.dma_semaphore, #tpu.memory_space<semaphore_mem>>) src(%arg9 : memref<128x16xf32, #tpu.memory_space<vmem>>) dst(%dma_wait3A_27 : memref<20224x16xf32, #tpu.memory_space<vmem_shared>>)
        tpu.yield
      }) : () -> ()
      "tpu.region"() ({
        %run_scoped3A = tpu.sem_alloc : memref<!tpu.dma_semaphore, #tpu.memory_space<semaphore_mem>>
        %dma_start3A = arith.constant 0 : i32
        %dma_start3A_18 = tpu.memref_slice %arg8[%scan3A_17, %dma_start3A] : memref<80x128xi32, #tpu.memory_space<vmem>> -> memref<1x128xi32, #tpu.memory_space<vmem>>
        %dma_start3A_19 = tpu.memref_squeeze %dma_start3A_18 : memref<1x128xi32, #tpu.memory_space<vmem>> -> memref<128xi32, #tpu.memory_space<vmem>>
        %dma_start3A_20 = arith.constant 0 : i32
        %dma_start3A_21 = arith.constant 0 : i32
        %dma_start3A_22 = tpu.memref_slice %arg10[%dma_start3A_20, %dma_start3A_21] : memref<20224x16xf32, #tpu.memory_space<vmem_shared>> -> memref<20224x16xf32, #tpu.memory_space<vmem_shared>>
        tpu.enqueue_indirect_dma source(%arg9 : memref<128x16xf32, #tpu.memory_space<vmem>>) target(%dma_start3A_22 : memref<20224x16xf32, #tpu.memory_space<vmem_shared>>) offsets(%dma_start3A_19 : memref<128xi32, #tpu.memory_space<vmem>>) semaphore(%run_scoped3A : memref<!tpu.dma_semaphore, #tpu.memory_space<semaphore_mem>>) {add = true}
        %dma_wait3A = arith.constant 0 : i32
        %dma_wait3A_23 = tpu.memref_slice %arg8[%scan3A_17, %dma_wait3A] : memref<80x128xi32, #tpu.memory_space<vmem>> -> memref<1x128xi32, #tpu.memory_space<vmem>>
        %dma_wait3A_24 = tpu.memref_squeeze %dma_wait3A_23 : memref<1x128xi32, #tpu.memory_space<vmem>> -> memref<128xi32, #tpu.memory_space<vmem>>
        %dma_wait3A_25 = arith.constant 0 : i32
        %dma_wait3A_26 = arith.constant 0 : i32
        %dma_wait3A_27 = tpu.memref_slice %arg10[%dma_wait3A_25, %dma_wait3A_26] : memref<20224x16xf32, #tpu.memory_space<vmem_shared>> -> memref<20224x16xf32, #tpu.memory_space<vmem_shared>>
        tpu.wait_indirect_dma semaphore(%run_scoped3A : memref<!tpu.dma_semaphore, #tpu.memory_space<semaphore_mem>>) src(%arg9 : memref<128x16xf32, #tpu.memory_space<vmem>>) dst(%dma_wait3A_27 : memref<20224x16xf32, #tpu.memory_space<vmem_shared>>)
        tpu.yield
      }) : () -> ()
    }
    %scan3A_11 = arith.constant 80 : i32
    %barrier3A_12 = arith.constant 0 : index
    tpu.barrier barrier_id(%barrier3A_12)
    %mul3A_13 = arith.constant 1264 : i32
    %mul3A_14 = arith.muli %arg1, %mul3A_13 : i32
    %mul3A_15 = arith.constant 1264 : i32
    %mul3A_16 = arith.muli %arg1, %mul3A_15 : i32
    "tpu.region"() ({
      %run_scoped3A = tpu.sem_alloc : memref<!tpu.dma_semaphore, #tpu.memory_space<semaphore_mem>>
      %dma_start3A = arith.constant 0 : i32
      %dma_start3A_17 = tpu.memref_slice %arg6[%arg0, %mul3A_16, %dma_start3A] : memref<2x20224x16xf32, #tpu.memory_space<hbm>> -> memref<1x1264x16xf32, #tpu.memory_space<hbm>>
      %dma_start3A_18 = tpu.memref_squeeze %dma_start3A_17 : memref<1x1264x16xf32, #tpu.memory_space<hbm>> -> memref<1264x16xf32, #tpu.memory_space<hbm>>
      %dma_start3A_19 = arith.constant 0 : i32
      %dma_start3A_20 = tpu.memref_slice %arg10[%mul3A_14, %dma_start3A_19] : memref<20224x16xf32, #tpu.memory_space<vmem_shared>> -> memref<1264x16xf32, #tpu.memory_space<vmem_shared>>
      tpu.enqueue_dma source(%dma_start3A_20 : memref<1264x16xf32, #tpu.memory_space<vmem_shared>>) target(%dma_start3A_18 : memref<1264x16xf32, #tpu.memory_space<hbm>>) target_semaphore(%run_scoped3A : memref<!tpu.dma_semaphore, #tpu.memory_space<semaphore_mem>>)
      %dma_wait3A = arith.constant 0 : i32
      %dma_wait3A_21 = tpu.memref_slice %arg6[%arg0, %mul3A_16, %dma_wait3A] : memref<2x20224x16xf32, #tpu.memory_space<hbm>> -> memref<1x1264x16xf32, #tpu.memory_space<hbm>>
      %dma_wait3A_22 = tpu.memref_squeeze %dma_wait3A_21 : memref<1x1264x16xf32, #tpu.memory_space<hbm>> -> memref<1264x16xf32, #tpu.memory_space<hbm>>
      %dma_wait3A_23 = arith.constant 0 : i32
      %dma_wait3A_24 = tpu.memref_slice %arg10[%mul3A_14, %dma_wait3A_23] : memref<20224x16xf32, #tpu.memory_space<vmem_shared>> -> memref<1264x16xf32, #tpu.memory_space<vmem_shared>>
      tpu.wait_dma2 semaphore(%run_scoped3A : memref<!tpu.dma_semaphore, #tpu.memory_space<semaphore_mem>>) src(%dma_wait3A_24 : memref<1264x16xf32, #tpu.memory_space<vmem_shared>>) dst(%dma_wait3A_22 : memref<1264x16xf32, #tpu.memory_space<hbm>>)
      tpu.yield
    }) : () -> ()
    return
  }
}

#map = affine_map<(d0, d1) -> (0, 0)>
#map1 = affine_map<(d0, d1) -> (0, 0, 0)>
module attributes {stable_mosaic.version = 14 : i64} {
  func.func @_agg_body(%arg0: i32, %arg1: i32, %arg2: memref<2560x128xi32, #tpu.memory_space<hbm>>, %arg3: memref<2560x128xi32, #tpu.memory_space<hbm>>, %arg4: memref<10000x16xf32, #tpu.memory_space<hbm>>, %arg5: memref<10112x16xf32, #tpu.memory_space<hbm>>, %arg6: memref<2x10112x16xf32, #tpu.memory_space<hbm>>, %arg7: memref<80x128xi32, #tpu.memory_space<vmem>>, %arg8: memref<80x128xi32, #tpu.memory_space<vmem>>, %arg9: memref<128x16xf32, #tpu.memory_space<vmem>>, %arg10: memref<10112x16xf32, #tpu.memory_space<vmem_shared>>, %arg11: memref<!tpu.dma_semaphore, #tpu.memory_space<semaphore_mem>>) attributes {dimension_semantics = [#tpu.dimension_semantics<core_parallel>, #tpu.dimension_semantics<subcore_parallel>], iteration_bounds = array<i64: 2, 16>, scalar_prefetch = 0 : i64, scratch_operands = 5 : i64, tpu.core_type = #tpu.core_type<sc_vector_subcore>, window_params = [{transform_indices = #map}, {transform_indices = #map}, {transform_indices = #map}, {transform_indices = #map}, {transform_indices = #map1}]} {
    %mul3A = arith.constant 16 : i32
    %mul3A_0 = arith.muli %arg0, %mul3A : i32
    %add3A = arith.addi %mul3A_0, %arg1 : i32
    %mul3A_1 = arith.constant 632 : i32
    %mul3A_2 = arith.muli %arg1, %mul3A_1 : i32
    %mul3A_3 = arith.constant 632 : i32
    %mul3A_4 = arith.muli %arg1, %mul3A_3 : i32
    "tpu.region"() ({
      %run_scoped3A = tpu.sem_alloc : memref<!tpu.dma_semaphore, #tpu.memory_space<semaphore_mem>>
      %dma_start3A = arith.constant 0 : i32
      %dma_start3A_17 = tpu.memref_slice %arg10[%mul3A_4, %dma_start3A] : memref<10112x16xf32, #tpu.memory_space<vmem_shared>> -> memref<632x16xf32, #tpu.memory_space<vmem_shared>>
      %dma_start3A_18 = arith.constant 0 : i32
      %dma_start3A_19 = tpu.memref_slice %arg5[%mul3A_2, %dma_start3A_18] : memref<10112x16xf32, #tpu.memory_space<hbm>> -> memref<632x16xf32, #tpu.memory_space<hbm>>
      tpu.enqueue_dma source(%dma_start3A_19 : memref<632x16xf32, #tpu.memory_space<hbm>>) target(%dma_start3A_17 : memref<632x16xf32, #tpu.memory_space<vmem_shared>>) target_semaphore(%run_scoped3A : memref<!tpu.dma_semaphore, #tpu.memory_space<semaphore_mem>>)
      %dma_wait3A = arith.constant 0 : i32
      %dma_wait3A_20 = tpu.memref_slice %arg10[%mul3A_4, %dma_wait3A] : memref<10112x16xf32, #tpu.memory_space<vmem_shared>> -> memref<632x16xf32, #tpu.memory_space<vmem_shared>>
      %dma_wait3A_21 = arith.constant 0 : i32
      %dma_wait3A_22 = tpu.memref_slice %arg5[%mul3A_2, %dma_wait3A_21] : memref<10112x16xf32, #tpu.memory_space<hbm>> -> memref<632x16xf32, #tpu.memory_space<hbm>>
      tpu.wait_dma2 semaphore(%run_scoped3A : memref<!tpu.dma_semaphore, #tpu.memory_space<semaphore_mem>>) src(%dma_wait3A_22 : memref<632x16xf32, #tpu.memory_space<hbm>>) dst(%dma_wait3A_20 : memref<632x16xf32, #tpu.memory_space<vmem_shared>>)
      tpu.yield
    }) : () -> ()
    %mul3A_5 = arith.constant 80 : i32
    %mul3A_6 = arith.muli %add3A, %mul3A_5 : i32
    "tpu.region"() ({
      %run_scoped3A = tpu.sem_alloc : memref<!tpu.dma_semaphore, #tpu.memory_space<semaphore_mem>>
      %dma_start3A = arith.constant 0 : i32
      %dma_start3A_17 = tpu.memref_slice %arg2[%mul3A_6, %dma_start3A] : memref<2560x128xi32, #tpu.memory_space<hbm>> -> memref<80x128xi32, #tpu.memory_space<hbm>>
      %dma_start3A_18 = arith.constant 0 : i32
      %dma_start3A_19 = tpu.memref_slice %arg2[%mul3A_6, %dma_start3A_18] : memref<2560x128xi32, #tpu.memory_space<hbm>> -> memref<80x128xi32, #tpu.memory_space<hbm>>
      tpu.enqueue_dma source(%dma_start3A_19 : memref<80x128xi32, #tpu.memory_space<hbm>>) target(%arg7 : memref<80x128xi32, #tpu.memory_space<vmem>>) target_semaphore(%run_scoped3A : memref<!tpu.dma_semaphore, #tpu.memory_space<semaphore_mem>>)
      %dma_wait3A = arith.constant 0 : i32
      %dma_wait3A_20 = tpu.memref_slice %arg2[%mul3A_6, %dma_wait3A] : memref<2560x128xi32, #tpu.memory_space<hbm>> -> memref<80x128xi32, #tpu.memory_space<hbm>>
      %dma_wait3A_21 = arith.constant 0 : i32
      %dma_wait3A_22 = tpu.memref_slice %arg2[%mul3A_6, %dma_wait3A_21] : memref<2560x128xi32, #tpu.memory_space<hbm>> -> memref<80x128xi32, #tpu.memory_space<hbm>>
      tpu.wait_dma2 semaphore(%run_scoped3A : memref<!tpu.dma_semaphore, #tpu.memory_space<semaphore_mem>>) src(%dma_wait3A_22 : memref<80x128xi32, #tpu.memory_space<hbm>>) dst(%arg7 : memref<80x128xi32, #tpu.memory_space<vmem>>)
      tpu.yield
    }) : () -> ()
    "tpu.region"() ({
      %run_scoped3A = tpu.sem_alloc : memref<!tpu.dma_semaphore, #tpu.memory_space<semaphore_mem>>
      %dma_start3A = arith.constant 0 : i32
      %dma_start3A_17 = tpu.memref_slice %arg3[%mul3A_6, %dma_start3A] : memref<2560x128xi32, #tpu.memory_space<hbm>> -> memref<80x128xi32, #tpu.memory_space<hbm>>
      %dma_start3A_18 = arith.constant 0 : i32
      %dma_start3A_19 = tpu.memref_slice %arg3[%mul3A_6, %dma_start3A_18] : memref<2560x128xi32, #tpu.memory_space<hbm>> -> memref<80x128xi32, #tpu.memory_space<hbm>>
      tpu.enqueue_dma source(%dma_start3A_19 : memref<80x128xi32, #tpu.memory_space<hbm>>) target(%arg8 : memref<80x128xi32, #tpu.memory_space<vmem>>) target_semaphore(%run_scoped3A : memref<!tpu.dma_semaphore, #tpu.memory_space<semaphore_mem>>)
      %dma_wait3A = arith.constant 0 : i32
      %dma_wait3A_20 = tpu.memref_slice %arg3[%mul3A_6, %dma_wait3A] : memref<2560x128xi32, #tpu.memory_space<hbm>> -> memref<80x128xi32, #tpu.memory_space<hbm>>
      %dma_wait3A_21 = arith.constant 0 : i32
      %dma_wait3A_22 = tpu.memref_slice %arg3[%mul3A_6, %dma_wait3A_21] : memref<2560x128xi32, #tpu.memory_space<hbm>> -> memref<80x128xi32, #tpu.memory_space<hbm>>
      tpu.wait_dma2 semaphore(%run_scoped3A : memref<!tpu.dma_semaphore, #tpu.memory_space<semaphore_mem>>) src(%dma_wait3A_22 : memref<80x128xi32, #tpu.memory_space<hbm>>) dst(%arg8 : memref<80x128xi32, #tpu.memory_space<vmem>>)
      tpu.yield
    }) : () -> ()
    %barrier3A = arith.constant 0 : index
    tpu.barrier barrier_id(%barrier3A)
    %scan3A = arith.constant 0 : i32
    %scan3A_7 = arith.constant 0 : i32
    %scan3A_8 = arith.constant 80 : i32
    %scan3A_9 = arith.addi %scan3A_7, %scan3A_8 : i32
    %scan3A_10 = arith.constant 1 : i32
    scf.for %scan3A_17 = %scan3A_7 to %scan3A_9 step %scan3A_10  : i32 {
      %dma_start3A = arith.constant 0 : i32
      %dma_start3A_18 = tpu.memref_slice %arg7[%scan3A_17, %dma_start3A] : memref<80x128xi32, #tpu.memory_space<vmem>> -> memref<1x128xi32, #tpu.memory_space<vmem>>
      %dma_start3A_19 = tpu.memref_squeeze %dma_start3A_18 : memref<1x128xi32, #tpu.memory_space<vmem>> -> memref<128xi32, #tpu.memory_space<vmem>>
      %dma_start3A_20 = arith.constant 0 : i32
      %dma_start3A_21 = arith.constant 0 : i32
      %dma_start3A_22 = tpu.memref_slice %arg4[%dma_start3A_20, %dma_start3A_21] : memref<10000x16xf32, #tpu.memory_space<hbm>> -> memref<10000x16xf32, #tpu.memory_space<hbm>>
      tpu.enqueue_indirect_dma source(%dma_start3A_22 : memref<10000x16xf32, #tpu.memory_space<hbm>>) target(%arg9 : memref<128x16xf32, #tpu.memory_space<vmem>>) offsets(%dma_start3A_19 : memref<128xi32, #tpu.memory_space<vmem>>) semaphore(%arg11 : memref<!tpu.dma_semaphore, #tpu.memory_space<semaphore_mem>>)
      %dma_wait3A = arith.constant 0 : i32
      %dma_wait3A_23 = tpu.memref_slice %arg7[%scan3A_17, %dma_wait3A] : memref<80x128xi32, #tpu.memory_space<vmem>> -> memref<1x128xi32, #tpu.memory_space<vmem>>
      %dma_wait3A_24 = tpu.memref_squeeze %dma_wait3A_23 : memref<1x128xi32, #tpu.memory_space<vmem>> -> memref<128xi32, #tpu.memory_space<vmem>>
      %dma_wait3A_25 = arith.constant 0 : i32
      %dma_wait3A_26 = arith.constant 0 : i32
      %dma_wait3A_27 = tpu.memref_slice %arg4[%dma_wait3A_25, %dma_wait3A_26] : memref<10000x16xf32, #tpu.memory_space<hbm>> -> memref<10000x16xf32, #tpu.memory_space<hbm>>
      tpu.wait_indirect_dma semaphore(%arg11 : memref<!tpu.dma_semaphore, #tpu.memory_space<semaphore_mem>>) src(%dma_wait3A_27 : memref<10000x16xf32, #tpu.memory_space<hbm>>) dst(%arg9 : memref<128x16xf32, #tpu.memory_space<vmem>>)
      "tpu.region"() ({
        %run_scoped3A = tpu.sem_alloc : memref<!tpu.dma_semaphore, #tpu.memory_space<semaphore_mem>>
        %dma_start3A_28 = arith.constant 0 : i32
        %dma_start3A_29 = tpu.memref_slice %arg8[%scan3A_17, %dma_start3A_28] : memref<80x128xi32, #tpu.memory_space<vmem>> -> memref<1x128xi32, #tpu.memory_space<vmem>>
        %dma_start3A_30 = tpu.memref_squeeze %dma_start3A_29 : memref<1x128xi32, #tpu.memory_space<vmem>> -> memref<128xi32, #tpu.memory_space<vmem>>
        %dma_start3A_31 = arith.constant 0 : i32
        %dma_start3A_32 = arith.constant 0 : i32
        %dma_start3A_33 = tpu.memref_slice %arg10[%dma_start3A_31, %dma_start3A_32] : memref<10112x16xf32, #tpu.memory_space<vmem_shared>> -> memref<10112x16xf32, #tpu.memory_space<vmem_shared>>
        tpu.enqueue_indirect_dma source(%arg9 : memref<128x16xf32, #tpu.memory_space<vmem>>) target(%dma_start3A_33 : memref<10112x16xf32, #tpu.memory_space<vmem_shared>>) offsets(%dma_start3A_30 : memref<128xi32, #tpu.memory_space<vmem>>) semaphore(%run_scoped3A : memref<!tpu.dma_semaphore, #tpu.memory_space<semaphore_mem>>) {add = true}
        %dma_wait3A_34 = arith.constant 0 : i32
        %dma_wait3A_35 = tpu.memref_slice %arg8[%scan3A_17, %dma_wait3A_34] : memref<80x128xi32, #tpu.memory_space<vmem>> -> memref<1x128xi32, #tpu.memory_space<vmem>>
        %dma_wait3A_36 = tpu.memref_squeeze %dma_wait3A_35 : memref<1x128xi32, #tpu.memory_space<vmem>> -> memref<128xi32, #tpu.memory_space<vmem>>
        %dma_wait3A_37 = arith.constant 0 : i32
        %dma_wait3A_38 = arith.constant 0 : i32
        %dma_wait3A_39 = tpu.memref_slice %arg10[%dma_wait3A_37, %dma_wait3A_38] : memref<10112x16xf32, #tpu.memory_space<vmem_shared>> -> memref<10112x16xf32, #tpu.memory_space<vmem_shared>>
        tpu.wait_indirect_dma semaphore(%run_scoped3A : memref<!tpu.dma_semaphore, #tpu.memory_space<semaphore_mem>>) src(%arg9 : memref<128x16xf32, #tpu.memory_space<vmem>>) dst(%dma_wait3A_39 : memref<10112x16xf32, #tpu.memory_space<vmem_shared>>)
        tpu.yield
      }) : () -> ()
    }
    %scan3A_11 = arith.constant 80 : i32
    %barrier3A_12 = arith.constant 0 : index
    tpu.barrier barrier_id(%barrier3A_12)
    %mul3A_13 = arith.constant 632 : i32
    %mul3A_14 = arith.muli %arg1, %mul3A_13 : i32
    %mul3A_15 = arith.constant 632 : i32
    %mul3A_16 = arith.muli %arg1, %mul3A_15 : i32
    "tpu.region"() ({
      %run_scoped3A = tpu.sem_alloc : memref<!tpu.dma_semaphore, #tpu.memory_space<semaphore_mem>>
      %dma_start3A = arith.constant 0 : i32
      %dma_start3A_17 = tpu.memref_slice %arg6[%arg0, %mul3A_16, %dma_start3A] : memref<2x10112x16xf32, #tpu.memory_space<hbm>> -> memref<1x632x16xf32, #tpu.memory_space<hbm>>
      %dma_start3A_18 = tpu.memref_squeeze %dma_start3A_17 : memref<1x632x16xf32, #tpu.memory_space<hbm>> -> memref<632x16xf32, #tpu.memory_space<hbm>>
      %dma_start3A_19 = arith.constant 0 : i32
      %dma_start3A_20 = tpu.memref_slice %arg10[%mul3A_14, %dma_start3A_19] : memref<10112x16xf32, #tpu.memory_space<vmem_shared>> -> memref<632x16xf32, #tpu.memory_space<vmem_shared>>
      tpu.enqueue_dma source(%dma_start3A_20 : memref<632x16xf32, #tpu.memory_space<vmem_shared>>) target(%dma_start3A_18 : memref<632x16xf32, #tpu.memory_space<hbm>>) target_semaphore(%run_scoped3A : memref<!tpu.dma_semaphore, #tpu.memory_space<semaphore_mem>>)
      %dma_wait3A = arith.constant 0 : i32
      %dma_wait3A_21 = tpu.memref_slice %arg6[%arg0, %mul3A_16, %dma_wait3A] : memref<2x10112x16xf32, #tpu.memory_space<hbm>> -> memref<1x632x16xf32, #tpu.memory_space<hbm>>
      %dma_wait3A_22 = tpu.memref_squeeze %dma_wait3A_21 : memref<1x632x16xf32, #tpu.memory_space<hbm>> -> memref<632x16xf32, #tpu.memory_space<hbm>>
      %dma_wait3A_23 = arith.constant 0 : i32
      %dma_wait3A_24 = tpu.memref_slice %arg10[%mul3A_14, %dma_wait3A_23] : memref<10112x16xf32, #tpu.memory_space<vmem_shared>> -> memref<632x16xf32, #tpu.memory_space<vmem_shared>>
      tpu.wait_dma2 semaphore(%run_scoped3A : memref<!tpu.dma_semaphore, #tpu.memory_space<semaphore_mem>>) src(%dma_wait3A_24 : memref<632x16xf32, #tpu.memory_space<vmem_shared>>) dst(%dma_wait3A_22 : memref<632x16xf32, #tpu.memory_space<hbm>>)
      tpu.yield
    }) : () -> ()
    return
  }
}

module attributes {stable_mosaic.version = 14 : i64} {
  func.func @_tc1_body(%arg0: memref<2x20224x16xf32, #tpu.memory_space<vmem>>, %arg1: memref<10000x128xf32, #tpu.memory_space<vmem>>, %arg2: memref<128x64xf32, #tpu.memory_space<vmem>>, %arg3: memref<10000x64xf32, #tpu.memory_space<vmem>>, %arg4: memref<10000x1xf32, #tpu.memory_space<vmem>>, %arg5: memref<10000x1xf32, #tpu.memory_space<vmem>>) attributes {dimension_semantics = [], scalar_prefetch = 0 : i64, scratch_operands = 0 : i64, tpu.core_type = #tpu.core_type<tc>} {
    %get3A = arith.constant 0 : index
    %get3A_0 = arith.constant 0 : index
    %get3A_1 = arith.constant 0 : index
    %get3A_2 = vector.load %arg0[%get3A, %get3A_0, %get3A_1] : memref<2x20224x16xf32, #tpu.memory_space<vmem>>, vector<1x20224x16xf32>
    %get3A_3 = vector.shape_cast %get3A_2 : vector<1x20224x16xf32> to vector<20224x16xf32>
    %get3A_4 = arith.constant 1 : index
    %get3A_5 = arith.constant 0 : index
    %get3A_6 = arith.constant 0 : index
    %get3A_7 = vector.load %arg0[%get3A_4, %get3A_5, %get3A_6] : memref<2x20224x16xf32, #tpu.memory_space<vmem>>, vector<1x20224x16xf32>
    %get3A_8 = vector.shape_cast %get3A_7 : vector<1x20224x16xf32> to vector<20224x16xf32>
    %add3A = arith.addf %get3A_3, %get3A_8 : vector<20224x16xf32>
    %slice3A = vector.extract_strided_slice %add3A {offsets = [0, 0], sizes = [10000, 1], strides = [1, 1]} : vector<20224x16xf32> to vector<10000x1xf32>
    %slice3A_9 = vector.extract_strided_slice %add3A {offsets = [10112, 0], sizes = [10000, 1], strides = [1, 1]} : vector<20224x16xf32> to vector<10000x1xf32>
    %max3A = arith.constant 1.000000e+00 : f32
    %max3A_10 = vector.broadcast %max3A : f32 to vector<10000x1xf32>
    %max3A_11 = arith.maximumf %slice3A, %max3A_10 : vector<10000x1xf32>
    %rsqrt3A = math.rsqrt %max3A_11 : vector<10000x1xf32>
    %max3A_12 = arith.constant 1.000000e+00 : f32
    %max3A_13 = vector.broadcast %max3A_12 : f32 to vector<10000x1xf32>
    %max3A_14 = arith.maximumf %slice3A_9, %max3A_13 : vector<10000x1xf32>
    %rsqrt3A_15 = math.rsqrt %max3A_14 : vector<10000x1xf32>
    %get3A_16 = arith.constant 0 : index
    %get3A_17 = arith.constant 0 : index
    %get3A_18 = vector.load %arg1[%get3A_16, %get3A_17] : memref<10000x128xf32, #tpu.memory_space<vmem>>, vector<10000x128xf32>
    %mul3A = vector.broadcast %rsqrt3A : vector<10000x1xf32> to vector<10000x128xf32>
    %mul3A_19 = arith.mulf %get3A_18, %mul3A : vector<10000x128xf32>
    %get3A_20 = arith.constant 0 : index
    %get3A_21 = arith.constant 0 : index
    %get3A_22 = vector.load %arg2[%get3A_20, %get3A_21] : memref<128x64xf32, #tpu.memory_space<vmem>>, vector<128x64xf32>
    %dot_general3A = arith.constant dense<0.000000e+00> : vector<10000x64xf32>
    %dot_general3A_23 = tpu.matmul %mul3A_19, %get3A_22, %dot_general3A {dimension_numbers = #tpu.dot_dimension_numbers<[1], [0], [0], [1], [0, 0, 1, 1], [], []>, transpose_lhs_hint = false} : vector<10000x128xf32>, vector<128x64xf32>, vector<10000x64xf32> -> vector<10000x64xf32>
    %swap3A = arith.constant 0 : index
    %swap3A_24 = arith.constant 0 : index
    %swap3A_25 = vector.load %arg3[%swap3A, %swap3A_24] : memref<10000x64xf32, #tpu.memory_space<vmem>>, vector<10000x64xf32>
    tpu.vector_store %arg3[%swap3A, %swap3A_24], %dot_general3A_23 {strides = array<i32>} : memref<10000x64xf32, #tpu.memory_space<vmem>>, vector<10000x64xf32>,
    %swap3A_26 = arith.constant 0 : index
    %swap3A_27 = arith.constant 0 : index
    %swap3A_28 = vector.load %arg4[%swap3A_26, %swap3A_27] : memref<10000x1xf32, #tpu.memory_space<vmem>>, vector<10000x1xf32>
    tpu.vector_store %arg4[%swap3A_26, %swap3A_27], %rsqrt3A_15 {strides = array<i32>} : memref<10000x1xf32, #tpu.memory_space<vmem>>, vector<10000x1xf32>,
    %swap3A_29 = arith.constant 0 : index
    %swap3A_30 = arith.constant 0 : index
    %swap3A_31 = vector.load %arg5[%swap3A_29, %swap3A_30] : memref<10000x1xf32, #tpu.memory_space<vmem>>, vector<10000x1xf32>
    tpu.vector_store %arg5[%swap3A_29, %swap3A_30], %rsqrt3A {strides = array<i32>} : memref<10000x1xf32, #tpu.memory_space<vmem>>, vector<10000x1xf32>,
    return
  }
}

module attributes {stable_mosaic.version = 14 : i64} {
  func.func @_tc_mid_body(%arg0: memref<2x10112x64xf32, #tpu.memory_space<vmem>>, %arg1: memref<10000x1xf32, #tpu.memory_space<vmem>>, %arg2: memref<10000x1xf32, #tpu.memory_space<vmem>>, %arg3: memref<64xf32, #tpu.memory_space<vmem>>, %arg4: memref<64x32xf32, #tpu.memory_space<vmem>>, %arg5: memref<10000x32xf32, #tpu.memory_space<vmem>>) attributes {dimension_semantics = [], scalar_prefetch = 0 : i64, scratch_operands = 0 : i64, tpu.core_type = #tpu.core_type<tc>} {
    %get3A = arith.constant 0 : index
    %get3A_0 = arith.constant 0 : index
    %get3A_1 = arith.constant 0 : index
    %get3A_2 = vector.load %arg0[%get3A, %get3A_0, %get3A_1] : memref<2x10112x64xf32, #tpu.memory_space<vmem>>, vector<1x10000x64xf32>
    %get3A_3 = vector.shape_cast %get3A_2 : vector<1x10000x64xf32> to vector<10000x64xf32>
    %get3A_4 = arith.constant 1 : index
    %get3A_5 = arith.constant 0 : index
    %get3A_6 = arith.constant 0 : index
    %get3A_7 = vector.load %arg0[%get3A_4, %get3A_5, %get3A_6] : memref<2x10112x64xf32, #tpu.memory_space<vmem>>, vector<1x10000x64xf32>
    %get3A_8 = vector.shape_cast %get3A_7 : vector<1x10000x64xf32> to vector<10000x64xf32>
    %add3A = arith.addf %get3A_3, %get3A_8 : vector<10000x64xf32>
    %get3A_9 = arith.constant 0 : index
    %get3A_10 = arith.constant 0 : index
    %get3A_11 = vector.load %arg1[%get3A_9, %get3A_10] : memref<10000x1xf32, #tpu.memory_space<vmem>>, vector<10000x1xf32>
    %mul3A = vector.broadcast %get3A_11 : vector<10000x1xf32> to vector<10000x64xf32>
    %mul3A_12 = arith.mulf %add3A, %mul3A : vector<10000x64xf32>
    %get3A_13 = arith.constant 0 : index
    %get3A_14 = vector.load %arg3[%get3A_13] : memref<64xf32, #tpu.memory_space<vmem>>, vector<64xf32>
    %broadcast_in_dim3A = vector.shape_cast %get3A_14 : vector<64xf32> to vector<1x64xf32>
    %add3A_15 = vector.broadcast %broadcast_in_dim3A : vector<1x64xf32> to vector<10000x64xf32>
    %add3A_16 = arith.addf %mul3A_12, %add3A_15 : vector<10000x64xf32>
    %max3A = arith.constant 0.000000e+00 : f32
    %max3A_17 = vector.broadcast %max3A : f32 to vector<10000x64xf32>
    %max3A_18 = arith.maximumf %add3A_16, %max3A_17 : vector<10000x64xf32>
    %get3A_19 = arith.constant 0 : index
    %get3A_20 = arith.constant 0 : index
    %get3A_21 = vector.load %arg2[%get3A_19, %get3A_20] : memref<10000x1xf32, #tpu.memory_space<vmem>>, vector<10000x1xf32>
    %mul3A_22 = vector.broadcast %get3A_21 : vector<10000x1xf32> to vector<10000x64xf32>
    %mul3A_23 = arith.mulf %max3A_18, %mul3A_22 : vector<10000x64xf32>
    %get3A_24 = arith.constant 0 : index
    %get3A_25 = arith.constant 0 : index
    %get3A_26 = vector.load %arg4[%get3A_24, %get3A_25] : memref<64x32xf32, #tpu.memory_space<vmem>>, vector<64x32xf32>
    %dot_general3A = arith.constant dense<0.000000e+00> : vector<10000x32xf32>
    %dot_general3A_27 = tpu.matmul %mul3A_23, %get3A_26, %dot_general3A {dimension_numbers = #tpu.dot_dimension_numbers<[1], [0], [0], [1], [0, 0, 1, 1], [], []>, transpose_lhs_hint = false} : vector<10000x64xf32>, vector<64x32xf32>, vector<10000x32xf32> -> vector<10000x32xf32>
    %swap3A = arith.constant 0 : index
    %swap3A_28 = arith.constant 0 : index
    %swap3A_29 = vector.load %arg5[%swap3A, %swap3A_28] : memref<10000x32xf32, #tpu.memory_space<vmem>>, vector<10000x32xf32>
    tpu.vector_store %arg5[%swap3A, %swap3A_28], %dot_general3A_27 {strides = array<i32>} : memref<10000x32xf32, #tpu.memory_space<vmem>>, vector<10000x32xf32>,
    return
  }
}

module attributes {stable_mosaic.version = 14 : i64} {
  func.func @_tc_mid_body(%arg0: memref<2x10112x32xf32, #tpu.memory_space<vmem>>, %arg1: memref<10000x1xf32, #tpu.memory_space<vmem>>, %arg2: memref<10000x1xf32, #tpu.memory_space<vmem>>, %arg3: memref<32xf32, #tpu.memory_space<vmem>>, %arg4: memref<32x16xf32, #tpu.memory_space<vmem>>, %arg5: memref<10000x16xf32, #tpu.memory_space<vmem>>) attributes {dimension_semantics = [], scalar_prefetch = 0 : i64, scratch_operands = 0 : i64, tpu.core_type = #tpu.core_type<tc>} {
    %get3A = arith.constant 0 : index
    %get3A_0 = arith.constant 0 : index
    %get3A_1 = arith.constant 0 : index
    %get3A_2 = vector.load %arg0[%get3A, %get3A_0, %get3A_1] : memref<2x10112x32xf32, #tpu.memory_space<vmem>>, vector<1x10000x32xf32>
    %get3A_3 = vector.shape_cast %get3A_2 : vector<1x10000x32xf32> to vector<10000x32xf32>
    %get3A_4 = arith.constant 1 : index
    %get3A_5 = arith.constant 0 : index
    %get3A_6 = arith.constant 0 : index
    %get3A_7 = vector.load %arg0[%get3A_4, %get3A_5, %get3A_6] : memref<2x10112x32xf32, #tpu.memory_space<vmem>>, vector<1x10000x32xf32>
    %get3A_8 = vector.shape_cast %get3A_7 : vector<1x10000x32xf32> to vector<10000x32xf32>
    %add3A = arith.addf %get3A_3, %get3A_8 : vector<10000x32xf32>
    %get3A_9 = arith.constant 0 : index
    %get3A_10 = arith.constant 0 : index
    %get3A_11 = vector.load %arg1[%get3A_9, %get3A_10] : memref<10000x1xf32, #tpu.memory_space<vmem>>, vector<10000x1xf32>
    %mul3A = vector.broadcast %get3A_11 : vector<10000x1xf32> to vector<10000x32xf32>
    %mul3A_12 = arith.mulf %add3A, %mul3A : vector<10000x32xf32>
    %get3A_13 = arith.constant 0 : index
    %get3A_14 = vector.load %arg3[%get3A_13] : memref<32xf32, #tpu.memory_space<vmem>>, vector<32xf32>
    %broadcast_in_dim3A = vector.shape_cast %get3A_14 : vector<32xf32> to vector<1x32xf32>
    %add3A_15 = vector.broadcast %broadcast_in_dim3A : vector<1x32xf32> to vector<10000x32xf32>
    %add3A_16 = arith.addf %mul3A_12, %add3A_15 : vector<10000x32xf32>
    %max3A = arith.constant 0.000000e+00 : f32
    %max3A_17 = vector.broadcast %max3A : f32 to vector<10000x32xf32>
    %max3A_18 = arith.maximumf %add3A_16, %max3A_17 : vector<10000x32xf32>
    %get3A_19 = arith.constant 0 : index
    %get3A_20 = arith.constant 0 : index
    %get3A_21 = vector.load %arg2[%get3A_19, %get3A_20] : memref<10000x1xf32, #tpu.memory_space<vmem>>, vector<10000x1xf32>
    %mul3A_22 = vector.broadcast %get3A_21 : vector<10000x1xf32> to vector<10000x32xf32>
    %mul3A_23 = arith.mulf %max3A_18, %mul3A_22 : vector<10000x32xf32>
    %get3A_24 = arith.constant 0 : index
    %get3A_25 = arith.constant 0 : index
    %get3A_26 = vector.load %arg4[%get3A_24, %get3A_25] : memref<32x16xf32, #tpu.memory_space<vmem>>, vector<32x16xf32>
    %dot_general3A = arith.constant dense<0.000000e+00> : vector<10000x16xf32>
    %dot_general3A_27 = tpu.matmul %mul3A_23, %get3A_26, %dot_general3A {dimension_numbers = #tpu.dot_dimension_numbers<[1], [0], [0], [1], [0, 0, 1, 1], [], []>, transpose_lhs_hint = false} : vector<10000x32xf32>, vector<32x16xf32>, vector<10000x16xf32> -> vector<10000x16xf32>
    %swap3A = arith.constant 0 : index
    %swap3A_28 = arith.constant 0 : index
    %swap3A_29 = vector.load %arg5[%swap3A, %swap3A_28] : memref<10000x16xf32, #tpu.memory_space<vmem>>, vector<10000x16xf32>
    tpu.vector_store %arg5[%swap3A, %swap3A_28], %dot_general3A_27 {strides = array<i32>} : memref<10000x16xf32, #tpu.memory_space<vmem>>, vector<10000x16xf32>,
    return
  }
}

module attributes {stable_mosaic.version = 14 : i64} {
  func.func @_tc_final_body(%arg0: memref<2x10112x16xf32, #tpu.memory_space<vmem>>, %arg1: memref<10000x1xf32, #tpu.memory_space<vmem>>, %arg2: memref<16xf32, #tpu.memory_space<vmem>>, %arg3: memref<16x1xf32, #tpu.memory_space<vmem>>, %arg4: memref<1xf32, #tpu.memory_space<vmem>>, %arg5: memref<1x1xf32, #tpu.memory_space<vmem>>) attributes {dimension_semantics = [], scalar_prefetch = 0 : i64, scratch_operands = 0 : i64, tpu.core_type = #tpu.core_type<tc>} {
    %get3A = arith.constant 0 : index
    %get3A_0 = arith.constant 0 : index
    %get3A_1 = arith.constant 0 : index
    %get3A_2 = vector.load %arg0[%get3A, %get3A_0, %get3A_1] : memref<2x10112x16xf32, #tpu.memory_space<vmem>>, vector<1x10000x16xf32>
    %get3A_3 = vector.shape_cast %get3A_2 : vector<1x10000x16xf32> to vector<10000x16xf32>
    %get3A_4 = arith.constant 1 : index
    %get3A_5 = arith.constant 0 : index
    %get3A_6 = arith.constant 0 : index
    %get3A_7 = vector.load %arg0[%get3A_4, %get3A_5, %get3A_6] : memref<2x10112x16xf32, #tpu.memory_space<vmem>>, vector<1x10000x16xf32>
    %get3A_8 = vector.shape_cast %get3A_7 : vector<1x10000x16xf32> to vector<10000x16xf32>
    %add3A = arith.addf %get3A_3, %get3A_8 : vector<10000x16xf32>
    %get3A_9 = arith.constant 0 : index
    %get3A_10 = arith.constant 0 : index
    %get3A_11 = vector.load %arg1[%get3A_9, %get3A_10] : memref<10000x1xf32, #tpu.memory_space<vmem>>, vector<10000x1xf32>
    %mul3A = vector.broadcast %get3A_11 : vector<10000x1xf32> to vector<10000x16xf32>
    %mul3A_12 = arith.mulf %add3A, %mul3A : vector<10000x16xf32>
    %get3A_13 = arith.constant 0 : index
    %get3A_14 = vector.load %arg2[%get3A_13] : memref<16xf32, #tpu.memory_space<vmem>>, vector<16xf32>
    %broadcast_in_dim3A = vector.shape_cast %get3A_14 : vector<16xf32> to vector<1x16xf32>
    %add3A_15 = vector.broadcast %broadcast_in_dim3A : vector<1x16xf32> to vector<10000x16xf32>
    %add3A_16 = arith.addf %mul3A_12, %add3A_15 : vector<10000x16xf32>
    %max3A = arith.constant 0.000000e+00 : f32
    %max3A_17 = vector.broadcast %max3A : f32 to vector<10000x16xf32>
    %max3A_18 = arith.maximumf %add3A_16, %max3A_17 : vector<10000x16xf32>
    %reduce_sum3A = arith.constant dense<0.000000e+00> : vector<16xf32>
    %reduce_sum3A_19 = vector.multi_reduction <add>, %max3A_18, %reduce_sum3A [0] : vector<10000x16xf32> to vector<16xf32>
    %broadcast_in_dim3A_20 = vector.shape_cast %reduce_sum3A_19 : vector<16xf32> to vector<1x16xf32>
    %div3A = arith.constant 1.000000e+04 : f32
    %div3A_21 = vector.broadcast %div3A : f32 to vector<1x16xf32>
    %div3A_22 = arith.divf %broadcast_in_dim3A_20, %div3A_21 : vector<1x16xf32>
    %get3A_23 = arith.constant 0 : index
    %get3A_24 = arith.constant 0 : index
    %get3A_25 = vector.load %arg3[%get3A_23, %get3A_24] : memref<16x1xf32, #tpu.memory_space<vmem>>, vector<16x1xf32>
    %dot_general3A = arith.constant dense<0.000000e+00> : vector<1x1xf32>
    %dot_general3A_26 = tpu.matmul %div3A_22, %get3A_25, %dot_general3A {dimension_numbers = #tpu.dot_dimension_numbers<[1], [0], [0], [1], [0, 0, 1, 1], [], []>, transpose_lhs_hint = false} : vector<1x16xf32>, vector<16x1xf32>, vector<1x1xf32> -> vector<1x1xf32>
    %get3A_27 = arith.constant 0 : index
    %get3A_28 = vector.load %arg4[%get3A_27] : memref<1xf32, #tpu.memory_space<vmem>>, vector<1xf32>
    %broadcast_in_dim3A_29 = vector.shape_cast %get3A_28 : vector<1xf32> to vector<1x1xf32>
    %add3A_30 = arith.addf %dot_general3A_26, %broadcast_in_dim3A_29 : vector<1x1xf32>
    %swap3A = arith.constant 0 : index
    %swap3A_31 = arith.constant 0 : index
    %swap3A_32 = vector.load %arg5[%swap3A, %swap3A_31] : memref<1x1xf32, #tpu.memory_space<vmem>>, vector<1x1xf32>
    tpu.vector_store %arg5[%swap3A, %swap3A_31], %add3A_30 {strides = array<i32>} : memref<1x1xf32, #tpu.memory_space<vmem>>, vector<1x1xf32>,
    return
  }
}

</mosaic_0001>

<sc_bundles>
// kernel: kernel.10.cloned.1.call-start
scs
__scs_entry_jumppad:
0x0: {  	(pc) =	sbr.rel $0x88, $3  }
0x1: {  	(tag) =	ssettag $0x0;
	lr =	simm.s32 $0x1  }
0x2: {  	[smem:$0x3F97] =	sst lr;
	_ =	strace $0xD0000000  }
0x3: {  	_ = 	snop  }
0x4: {  	_ = 	snop  }
0x5: {  	_ = 	snop  }
0x6: {  	_ = 	snop  }
0x7: {  	_ = 	snop  }
__scs_overlays_trampoline_lowered:
0x8: {  	[smem:$0x3FA6] =	sst s0  }
0x9: {  	[smem:$0x3FA7] =	sst s1  }
0xa: {  	[smem:$0x3FA8] =	sst s2  }
0xb: {  	[smem:$0x3FA9] =	sst s3  }
0xc: {  	[smem:$0x3FAA] =	sst s4  }
0xd: {  	[smem:$0x3FAB] =	sst s5  }
0xe: {  	[smem:$0x3FAC] =	sst s6  }
0xf: {  	[smem:$0x3FAD] =	sst s7  }
0x10: {  	[smem:$0x3FAE] =	sst s8  }
0x11: {  	[smem:$0x3FAF] =	sst s9;
	s0 =	simm.s32 @!p0 $0x0  }
0x12: {  	s1 =	sld [smem:$0x3F95];
	s0 =	simm.s32 @p0 $0x1  }
0x13: {  	[smem:$0x3FB0] =	sst s0;
	s0 =	simm.s32 @!p1 $0x0  }
0x14: {  	s2 =	sld [smem:$0x3F94];
	s0 =	simm.s32 @p1 $0x1  }
0x15: {  	[smem:$0x3FB1] =	sst s0;
	s0 =	simm.s32 @!p2 $0x0  }
0x16: {  	s3 =	sld [smem:$0x3FDB];
	s0 =	simm.s32 @p2 $0x1  }
0x17: {  	s4 =	simm.s32 $0x1BF5;
	[smem:$0x3FB3] =	sst s0  }
0x18: {  	s0 =	sld [smem:$0x3F96];
	_ =	swait.ge [sflag:s4], $0x0  }
0x19: {  	s7 =	sld [smem:$0x3F97]  }
0x1a: {  	s8 =	sadd.s32 $0xFFFFE003, lr  }
0x1b: {  	s9 =	sadd.s32 $0xFFFFFEF7, lr;
	s5 =	simm.s32 $0xFFFFFFFF;
	p2 =	slt.u32 s8, $0xFFFFF086  }
0x1c: {  	p1 =	slt.u32 s9, $0xF7A;
	s5 =	simm.s32 @!p2 $0x0  }
0x1d: {  	s5 =	simm.s32 @p1 $0x1;
	p0 =	seq.s32 s7, s2  }
0x1e: {  	s7 =	smul.u32 @!p0 $0xF7A, s2;
	p2 =	seq.s32 @!p0 s5, $0x0  }
0x1f: {  	s9 =	smul.u32 $0xF7A, s1;
	s8 =	simm.s32 @!p0 $0x1BF5;
	p2 =	por !p2, p0  }
0x20: {  	[sflag:s8] =	ssyncset.s32 @!p0 $0xFFFFF086;
	s6 =	sadd.s32 @!p0 s3, s7;
	s7 =	simm.s32 @!p0 $0x108  }
0x21: {  	s3 =	sadd.s32 s3, s9;
	s6 =	sadd.s32 @!p0 $0x88, s6;
	s7 =	simm.s32 @p2 $0x1082  }
0x22: {  	[simem:s7], [sflag:s8] =	dma.local @!p0 [hbm:s6], $0xF7A  }
0x23: {  	s9 =	sor.u32 $0xD0000000, s2;
	s6 =	simm.s32 $0x108;
	_ =	swait.ge @!p0 [sflag:s8], $0x0  }
0x24: {  	s3 =	sadd.s32 $0x88, s3;
	s6 =	simm.s32 @!p1 $0x1082;
	[sflag:s4] =	ssyncset.s32 $0xFFFFF086  }
0x25: {  	[simem:s6], [sflag:s4] =	dma.local [hbm:s3], $0xF7A  }
0x26: {  	[smem:$0x3F97] =	sst s1;
	(tag) =	ssettag s2;
	_ =	strace s9  }
0x27: {  	s1 =	sld [smem:$0x3FA7]  }
0x28: {  	s2 =	sld [smem:$0x3FA8]  }
0x29: {  	s4 =	sld [smem:$0x3FAA]  }
0x2a: {  	p0 =	seq.s32 s5, $0x0;
	s5 =	sld [smem:$0x3FAB]  }
0x2b: {  	s6 =	sld [smem:$0x3FAC]  }
0x2c: {  	s7 =	sld [smem:$0x3FAD]  }
0x2d: {  	s3 =	simm.s32 $0x108;
	s8 =	sld [smem:$0x3FAE]  }
0x2e: {  	s3 =	simm.s32 @!p0 $0x1082;
	s9 =	sld [smem:$0x3FAF]  }
0x2f: {  	lr =	sadd.s32 s0, s3;
	s0 =	sld [smem:$0x3FA6]  }
0x30: {  	s3 =	sld [smem:$0x3FA9]  }
0x31: {  	[smem:$0x3FB2] =	sst s10  }
0x32: {  	s10 =	sld [smem:$0x3FB0];
	_ =	sdelay $0x3  }
0x33: {  	p0 =	seq.s32 s10, $0x1;
	s10 =	sld [smem:$0x3FB2];
	_ =	sdelay $0x3  }
0x34: {  	[smem:$0x3FB2] =	sst s10  }
0x35: {  	s10 =	sld [smem:$0x3FB1];
	_ =	sdelay $0x3  }
0x36: {  	p1 =	seq.s32 s10, $0x1;
	s10 =	sld [smem:$0x3FB2];
	_ =	sdelay $0x3  }
0x37: {  	[smem:$0x3FB2] =	sst s10  }
0x38: {  	s10 =	sld [smem:$0x3FB3]  }
0x39: {  	_ = 	snop;
	(pc) =	sbr.ind lr, $3  }
0x3a: {  	_ = 	snop  }
0x3b: {  	_ = 	snop  }
0x3c: {  	p2 =	seq.s32 s10, $0x1;
	s10 =	sld [smem:$0x3FB2]  }
0x3d: {  	_ =	shalt  }
0x3e: {  	_ =	shalt  }
0x3f: {  	_ =	shalt  }
0x40: {  	_ =	shalt  }
0x41: {  	_ =	shalt  }
0x42: {  	_ =	shalt  }
0x43: {  	_ =	shalt  }
0x44: {  	_ =	shalt  }
0x45: {  	_ =	shalt  }
0x46: {  	_ =	shalt  }
0x47: {  	_ =	shalt  }
0x48: {  	_ =	shalt  }
0x49: {  	_ =	shalt  }
0x4a: {  	_ =	shalt  }
0x4b: {  	_ =	shalt  }
0x4c: {  	_ =	shalt  }
0x4d: {  	_ =	shalt  }
0x4e: {  	_ =	shalt  }
0x4f: {  	_ =	shalt  }
0x50: {  	_ =	shalt  }
0x51: {  	_ =	shalt  }
0x52: {  	_ =	shalt  }
0x53: {  	_ =	shalt  }
0x54: {  	_ =	shalt  }
0x55: {  	_ =	shalt  }
0x56: {  	_ =	shalt  }
0x57: {  	_ =	shalt  }
0x58: {  	_ =	shalt  }
0x59: {  	_ =	shalt  }
0x5a: {  	_ =	shalt  }
0x5b: {  	_ =	shalt  }
0x5c: {  	_ =	shalt  }
0x5d: {  	_ =	shalt  }
0x5e: {  	_ =	shalt  }
0x5f: {  	_ =	shalt  }
0x60: {  	_ =	shalt  }
0x61: {  	_ =	shalt  }
0x62: {  	_ =	shalt  }
0x63: {  	_ =	shalt  }
0x64: {  	_ =	shalt  }
0x65: {  	_ =	shalt  }
0x66: {  	_ =	shalt  }
0x67: {  	_ =	shalt  }
0x68: {  	_ =	shalt  }
0x69: {  	_ =	shalt  }
0x6a: {  	_ =	shalt  }
0x6b: {  	_ =	shalt  }
0x6c: {  	_ =	shalt  }
0x6d: {  	_ =	shalt  }
0x6e: {  	_ =	shalt  }
0x6f: {  	_ =	shalt  }
0x70: {  	_ =	shalt  }
0x71: {  	_ =	shalt  }
0x72: {  	_ =	shalt  }
0x73: {  	_ =	shalt  }
0x74: {  	_ =	shalt  }
0x75: {  	_ =	shalt  }
0x76: {  	_ =	shalt  }
0x77: {  	_ =	shalt  }
0x78: {  	_ =	shalt  }
0x79: {  	_ =	shalt  }
0x7a: {  	_ =	shalt  }
0x7b: {  	_ =	shalt  }
0x7c: {  	_ =	shalt  }
0x7d: {  	_ =	shalt  }
0x7e: {  	_ =	shalt  }
0x7f: {  	_ =	shalt  }
0x80: {  	_ =	shalt  }
0x81: {  	_ =	shalt  }
0x82: {  	_ =	shalt  }
0x83: {  	_ =	shalt  }
0x84: {  	_ =	shalt  }
0x85: {  	_ =	shalt  }
0x86: {  	_ =	shalt  }
0x87: {  	_ =	shalt  }
.Lfunc_end0:
.L_simem_size_0:
called_computation_lowered:
.L_overlay_start_0:
0x88: {  	s2 =	sld [smem:$0x3FD9]  }
0x89: {  	s3 =	sld [smem:$0x3FFE];
	_ =	sdelay $0x1  }
0x8a: {  	s1 =	srdreg.scid  }
0x8b: {  	s0 =	sand.u32 $0x1, s1  }
0x8c: {  	s16 =	sshll.u32 s0, $0xA;
	s2 =	sadd.s32 s3, s2  }
0x8d: {  	s2 =	sadd.s32 s2, s16  }
0x8e: {  	[smem:$0x3FBE] =	sst s2  }
0x8f: {  	_ = 	snop  }
0x90: {  	(tm) =	ssettm $0x1  }
0x91: {  	s17 =	sld [smem:$0x3FFB];
	_ =	sdelay $0x3  }
0x92: {  	_ =	strace s17  }
0x93: {  	s2 =	sld [smem:$0x3FFC];
	_ =	sdelay $0x3  }
0x94: {  	_ =	strace s2  }
0x95: {  	s2 =	sld [smem:$0x3FFD];
	_ =	sdelay $0x3  }
0x96: {  	_ =	strace s2  }
0x97: {  	_ =	strace $0x8FFFFFFF  }
0x98: {  	s18 =	sld [smem:$0x3FDB];
	_ =	sdelay $0x1  }
0x99: {  	s19 =	simm.s32 $_scs_section_size  }
0x9a: {  	s4 =	simm.s32 $_size__tile_overlayer_lowered;
	s5 =	simm.s32 $_tile_overlayer_lowered  }
0x9b: {  	s22 =	simm.s32 $0x1BFF;
	s21 =	sshll.u32 s5, $0x1;
	s2 =	sadd.s32 s19, s18  }
0x9c: {  	s6 =	simm.s32 $0x0;
	s20 =	sshll.u32 s4, $0x1;
	s4 =	sadd.s32 s21, s2  }
0x9d: {  	[timem:s6], [sflag:s22] =	dma.local [hbm:s4], s20  }
0x9e: {  	_ =	swait.ge [sflag:s22], s20  }
0x9f: {  	s3 =	ssub.s32 $0x0, s20;
	[sflag:s22] =	ssyncset.done $0x0  }
0xa0: {  	[sflag:s22] =	ssyncadd.s32 s3;
	_ =	sdelay $0x1  }
0xa1: {  	s23 =	simm.s32 $0x1B8B  }
0xa2: {  	_ =	swait.ge [sflag:s23], $0x1  }
0xa3: {  	[sflag:s23] =	ssyncset.done $0x0  }
0xa4: {  	s25 =	simm.s32 $0x1B8E;
	s24 =	sld [smem:$0x3FFE];
	[sflag:s23] =	ssyncadd.s32 $0xFFFFFFFF  }
0xa5: {  	s26 =	simm.s32 $execute0_lowered;
	[smem:$0x3FD2] =	sst s25  }
0xa6: {  	s4 =	sshll.u32 s26, $0x1;
	_ =	strace $0x80000046;
	[dreg:$0x1] =	wrdreg $0xFFFFFFFF  }
0xa7: {  	s28 =	simm.s32 $_size_execute0_lowered;
	s2 =	sadd.s32 s2, s4;
	[dreg:$0x0] =	wrdreg $0x0  }
0xa8: {  	s4 =	sshll.u32 s28, $0x1;
	[dreg:$0x2] =	wrdreg s2  }
0xa9: {  	[dreg:$0x3] =	wrdreg s4  }
0xaa: {  	[dreg:$0x4] =	wrdreg $0xC0  }
0xab: {  	_ =	task [dreg:s6], $0x5FFFF  }
0xac: {  	[dreg:$0x1] =	wrdreg $0xFFFFFFFF  }
0xad: {  	[dreg:$0x0] =	wrdreg $0x60  }
0xae: {  	[dreg:$0x2] =	wrdreg s24  }
0xaf: {  	[dreg:$0x3] =	wrdreg $0x58000  }
0xb0: {  	[dreg:$0x4] =	wrdreg $0x9  }
0xb1: {  	_ =	task.clear_ibuf [dreg:s6], $0x5FFFF;
	_ =	strace $0x90000046  }
0xb2: {  	s29 =	simm.s32 $0x9;
	_ =	strace $0x80000048  }
0xb3: {  	_ =	swait.ge [sflag:s29], $0x1  }
0xb4: {  	[sflag:s29] =	ssyncadd.s32 $0xFFFFFFFF  }
0xb5: {  	_ =	strace $0x90000048  }
0xb6: {  	_ =	sfence  }
0xb7: {  	s30 =	sld [smem:$0x0];
	_ =	sdelay $0x2  }
0xb8: {  	s31 =	sshll.u32 s1, $0xD;
	s1 =	sshrl.u32 s1, $0x2  }
0xb9: {  	s3 =	sand.u32 $0x4000, s31;
	s1 =	sadd.s32 s1, s30  }
0xba: {  	s0 =	sor.u32 s3, s0;
	s1 =	sshll.u32 s1, $0x11  }
0xbb: {  	s0 =	sor.u32 s1, s0  }
0xbc: {  	s0 =	sadd.s32 $0x8F2B, s0  }
0xbd: {  	[sflag:s0] =	ssyncadd.remote.s32 $0x1  }
0xbe: {  	_ =	sfence.sel $0xFFFF  }
0xbf: {  	[dreg:$0x0] =	wrdreg $0xFFFFFFFF;
	(pc) =	sbr.abs _section_cstart, $3  }
0xc0: {  	[dreg:$0x1] =	wrdreg $0xFFFFFFFF  }
0xc1: {  	_ =	task.clear_ibuf [dreg:s6], $0x2FFFF;
	_ =	strace $0x9FFFFFFF  }
0xc2: {  	(tm) =	ssettm $0x7FFFFFFF  }
0xc3: {  	_ =	shalt  }
tec
execute0_lowered:
.L_overlay_start_1:
0x0: {  	(tag) =	ssettag $0x1  }
0x1: {  	s0 =	srdreg.scid;
	s5 =	rddreg [dreg:$0x0]  }
0x2: {  	s2 =	rddreg [dreg:$0x1];
	s3 =	simm.s32 $0x0;
	s13 =	simm.s32 $0x5000  }
0x3: {  	s14 =	simm.s32 $0x2800;
	s4 =	sand.u32 $0x1, s0;
	s0 =	stileid.u32  }
0x4: {  	s15 =	simm.s32 $0x80;
	s16 =	simm.s32 $0x0;
	s7 =	smul.u32 $0x4F00, s0  }
0x5: {  	[smem:$0x7FF] =	sst s3;
	s1 =	sshll.u32 s4, $0x4;
	s8 =	smul.u32 $0x4F000, s4  }
0x6: {  	s10 =	ssub.s32 $0x2, s4;
	s4 =	sadd.s32 $0x2A000, s5;
	s1 =	sor.u32 s0, s1  }
0x7: {  	s31 =	sshll.u32 s0, $0x6;
	s30 =	sshrl.u32 s10, $0x1;
	s6 =	smul.u32 $0x500, s1  }
0x8: {  	s1 =	rddreg [dreg:$0x2];
	_ =	strace $0x80000047;
	s29 =	sshrl.u32 s7, $0x3  }
0x9: {  	s8 =	sadd.s32 s7, s8;
	s10 =	ssub.s32 s10, s30;
	s12 =	sadd.s32 s7, s2  }
0xa: {  	s8 =	sshrl.u32 s8, $0x3;
	s9 =	sadd.s32 s6, s5;
	s6 =	sadd.s32 s29, s5  }
0xb: {  	s10 =	smax.u32 s10, $0x1;
	s11 =	sadd.s32 s8, s5;
	s5 =	sadd.s32 $0x20200, s6  }
0xc: {  	s6 =	sor.u32 $0x1C01, s31;
	s7 =	sadd.s32 $0x2200, s9;
	s8 =	sadd.s32 $0x16200, s9  }
0xd: {  	s9 =	sadd.s32 $0x2A200, s11;
	s11 =	sshrl.u32 s12, $0x3;
	s12 =	simm.s32 $0x1  }
.LBB2_1:
0xe: {  	[spmem:s11], [sflag:s6] =	dma.local [hbm:s5], $0x9E0  }
0xf: {  	_ =	swait.ge [sflag:s12], $0x9E0  }
0x10: {  	[sflag:s12] =	ssyncset.done $0x0  }
0x11: {  	[sflag:s12] =	ssyncadd.s32 $0xFFFFF620  }
0x12: {  	[tilespmem:s13], [sflag:$0x1] =	stream.linear.gather [hbm4b:s4+s3], $0x800, $0x38;
	[tilespmem:$0xA700] =	vst v63  }
0x13: {  	_ =	swait.ge [sflag:s12], $0x800  }
0x14: {  	[sflag:s12] =	ssyncset.done $0x0  }
0x15: {  	[sflag:s12] =	ssyncadd.s32 $0xFFFFF800  }
0x16: {  	[tilespmem:s3], [sflag:$0x1] =	stream.linear.gather [hbm4b:s7+s3], $0x2800, $0x38;
	[tilespmem:$0xA700] =	vst v63  }
0x17: {  	_ =	swait.ge [sflag:s12], $0x2800  }
0x18: {  	[sflag:s12] =	ssyncset.done $0x0  }
0x19: {  	[sflag:s12] =	ssyncadd.s32 $0xFFFFD800  }
0x1a: {  	[tilespmem:s14], [sflag:$0x1] =	stream.linear.gather [hbm4b:s8+s3], $0x2800, $0x38;
	[tilespmem:$0xA700] =	vst v63  }
0x1b: {  	_ =	swait.ge [sflag:s12], $0x2800  }
0x1c: {  	[sflag:s12] =	ssyncset.done $0x0  }
0x1d: {  	[sflag:s12] =	ssyncadd.s32 $0xFFFFD800  }
0x1e: {  	s17 =	simm.s32 $0x0;
	[bflag:$0x0] =	sbarrier.arrive $0xFFFF  }
0x1f: {  	[spmem:s2] =	stream.indirect.scatter.add.f32 [tilespmem:s13], [sflag:$0x1], $0x10, s17, s15, $0xb8;
	[tilespmem:$0xA700] =	vst v63  }
0x20: {  	_ =	swait.ge [sflag:s12], $0x800  }
0x21: {  	[sflag:s12] =	ssyncset.done $0x0  }
0x22: {  	s31 =	simm.s32 $0x2800;
	[sflag:s12] =	ssyncadd.s32 $0xFFFFF800  }
0x23: {  	[spmem:s2] =	stream.indirect.scatter.add.f32 [tilespmem:s13], [sflag:$0x1], $0x10, s31, s15, $0xb8;
	[tilespmem:$0xA700] =	vst v63  }
0x24: {  	_ =	swait.ge [sflag:s12], $0x800  }
0x25: {  	s18 =	simm.s32 $0x400;
	s17 =	simm.s32 $0x200;
	[sflag:s12] =	ssyncset.done $0x0  }
.LBB2_2:
0x26: {  	s19 =	sshra.s32 s17, $0x2  }
0x27: {  	[sflag:s12] =	ssyncadd.s32 $0xFFFFF800;
	s17 =	smov.u32 s18;
	s20 =	sadd.s32 $0x200, s18  }
0x28: {  	[spmem:s2] =	stream.indirect.scatter.add.f32 [tilespmem:s13], [sflag:$0x1], $0x10, s19, s15, $0xb8;
	[tilespmem:$0xA700] =	vst v63  }
0x29: {  	p0 =	sne.s32 s18, $0x9E00;
	_ =	swait.ge [sflag:s12], $0x800  }
.Ltmp0:
0x2a: {  	[sflag:s12] =	ssyncset.done $0x0;
	(pc) =	sbr.rel @p0 .LBB2_2-.Ltmp0, $4  }
0x2b: {  	s18 =	sadd.s32 $0x2800, s19;
	[sflag:s12] =	ssyncadd.s32 $0xFFFFF800  }
0x2c: {  	[spmem:s2] =	stream.indirect.scatter.add.f32 [tilespmem:s13], [sflag:$0x1], $0x10, s18, s15, $0xb8;
	[tilespmem:$0xA700] =	vst v63  }
0x2d: {  	_ =	swait.ge [sflag:s12], $0x800  }
0x2e: {  	s18 =	smov.u32 s20;
	[sflag:s12] =	ssyncset.done $0x0  }
0x2f: {  	s17 =	sshra.s32 s17, $0x2;
	[sflag:s12] =	ssyncadd.s32 $0xFFFFF800  }
0x30: {  	[spmem:s2] =	stream.indirect.scatter.add.f32 [tilespmem:s13], [sflag:$0x1], $0x10, s17, s15, $0xb8;
	[tilespmem:$0xA700] =	vst v63  }
0x31: {  	_ =	swait.ge [sflag:s12], $0x800  }
0x32: {  	[sflag:s12] =	ssyncset.done $0x0  }
0x33: {  	s17 =	sadd.s32 $0x2800, s17;
	[sflag:s12] =	ssyncadd.s32 $0xFFFFF800  }
0x34: {  	[spmem:s2] =	stream.indirect.scatter.add.f32 [tilespmem:s13], [sflag:$0x1], $0x10, s17, s15, $0xb8;
	[tilespmem:$0xA700] =	vst v63  }
0x35: {  	_ =	swait.ge [sflag:s12], $0x800  }
0x36: {  	s16 =	sadd.s32 $0x1, s16;
	[sflag:s12] =	ssyncset.done $0x0  }
0x37: {  	p0 =	sne.s32 s16, s10;
	[sflag:s12] =	ssyncadd.s32 $0xFFFFF800  }
.Ltmp1:
0x38: {  	[bflag:$0x0] =	sbarrier.arrive $0xFFFF;
	(pc) =	sbr.rel @p0 .LBB2_1-.Ltmp1, $4  }
0x39: {  	[hbm:s9], [sflag:s6] =	dma.local [spmem:s11], $0x9E0  }
0x3a: {  	_ =	swait.ge [sflag:s12], $0x9E0  }
0x3b: {  	[sflag:s12] =	ssyncset.done $0x0  }
0x3c: {  	[sflag:s12] =	ssyncadd.s32 $0xFFFFF620  }
0x3d: {  	_ =	sfence.sel $0x180000  }
0x3e: {  	[bflag:$0x0] =	sbarrier.arrive $0xFFFF  }
0x3f: {  	p0 =	sne.s32 s0, $0x0;
	_ =	strace $0x90000047  }
0x40: {  	s0 =	sadd.s32 @!p0 $0x100000, s1;
	[bflag:$0x2] =	sbarrier.arrive $0xFFFF  }
0x41: {  	[sflag:s0] =	ssyncadd.tile.s32 @!p0 $0x1;
	_ =	shalt  }
.Lfunc_end2:
_tile_overlayer_lowered:
.L_overlay_start_2:
0x42: {  	(tag) =	ssettag $0x2  }
0x43: {  	s0 =	rddreg [dreg:$0x0];
	s2 =	stileid.u32  }
0x44: {  	s1 =	rddreg [dreg:$0x1];
	p0 =	sne.s32 s2, $0x0  }
0x45: {  	s3 =	rddreg [dreg:$0x2];
	[bflag:$0x3] =	sbarrier.arrive $0xFFFF;
	s2 =	simm.s32 @!p0 $0x1C01  }
0x46: {  	[timem:s3], [sflag:s2] =	dma.local @!p0 [hbm:s0], s1  }
0x47: {  	s0 =	simm.s32 @!p0 $0x1  }
0x48: {  	_ =	swait.ge @!p0 [sflag:s0], s1  }
0x49: {  	s1 =	ssub.s32 @!p0 $0x0, s1;
	[sflag:s0] =	ssyncset.done @!p0 $0x0  }
0x4a: {  	[sflag:s0] =	ssyncadd.s32 @!p0 s1  }
0x4b: {  	[bflag:$0x3] =	sbarrier.arrive $0xFFFF  }
0x4c: {  	_ =	shalt  }

// kernel: kernel.13.cloned.1.call-start
scs
__scs_entry_jumppad:
0x0: {  	(pc) =	sbr.rel $0x88, $3  }
0x1: {  	(tag) =	ssettag $0x0;
	lr =	simm.s32 $0x1  }
0x2: {  	[smem:$0x3F97] =	sst lr;
	_ =	strace $0xD0000000  }
0x3: {  	_ = 	snop  }
0x4: {  	_ = 	snop  }
0x5: {  	_ = 	snop  }
0x6: {  	_ = 	snop  }
0x7: {  	_ = 	snop  }
__scs_overlays_trampoline_lowered:
0x8: {  	[smem:$0x3FA6] =	sst s0  }
0x9: {  	[smem:$0x3FA7] =	sst s1  }
0xa: {  	[smem:$0x3FA8] =	sst s2  }
0xb: {  	[smem:$0x3FA9] =	sst s3  }
0xc: {  	[smem:$0x3FAA] =	sst s4  }
0xd: {  	[smem:$0x3FAB] =	sst s5  }
0xe: {  	[smem:$0x3FAC] =	sst s6  }
0xf: {  	[smem:$0x3FAD] =	sst s7  }
0x10: {  	[smem:$0x3FAE] =	sst s8  }
0x11: {  	[smem:$0x3FAF] =	sst s9;
	s0 =	simm.s32 @!p0 $0x0  }
0x12: {  	s1 =	sld [smem:$0x3F95];
	s0 =	simm.s32 @p0 $0x1  }
0x13: {  	[smem:$0x3FB0] =	sst s0;
	s0 =	simm.s32 @!p1 $0x0  }
0x14: {  	s2 =	sld [smem:$0x3F94];
	s0 =	simm.s32 @p1 $0x1  }
0x15: {  	[smem:$0x3FB1] =	sst s0;
	s0 =	simm.s32 @!p2 $0x0  }
0x16: {  	s3 =	sld [smem:$0x3FDB];
	s0 =	simm.s32 @p2 $0x1  }
0x17: {  	s4 =	simm.s32 $0x1BF5;
	[smem:$0x3FB3] =	sst s0  }
0x18: {  	s0 =	sld [smem:$0x3F96];
	_ =	swait.ge [sflag:s4], $0x0  }
0x19: {  	s7 =	sld [smem:$0x3F97]  }
0x1a: {  	s8 =	sadd.s32 $0xFFFFE003, lr  }
0x1b: {  	s9 =	sadd.s32 $0xFFFFFEF7, lr;
	s5 =	simm.s32 $0xFFFFFFFF;
	p2 =	slt.u32 s8, $0xFFFFF086  }
0x1c: {  	p1 =	slt.u32 s9, $0xF7A;
	s5 =	simm.s32 @!p2 $0x0  }
0x1d: {  	s5 =	simm.s32 @p1 $0x1;
	p0 =	seq.s32 s7, s2  }
0x1e: {  	s7 =	smul.u32 @!p0 $0xF7A, s2;
	p2 =	seq.s32 @!p0 s5, $0x0  }
0x1f: {  	s9 =	smul.u32 $0xF7A, s1;
	s8 =	simm.s32 @!p0 $0x1BF5;
	p2 =	por !p2, p0  }
0x20: {  	[sflag:s8] =	ssyncset.s32 @!p0 $0xFFFFF086;
	s6 =	sadd.s32 @!p0 s3, s7;
	s7 =	simm.s32 @!p0 $0x108  }
0x21: {  	s3 =	sadd.s32 s3, s9;
	s6 =	sadd.s32 @!p0 $0x88, s6;
	s7 =	simm.s32 @p2 $0x1082  }
0x22: {  	[simem:s7], [sflag:s8] =	dma.local @!p0 [hbm:s6], $0xF7A  }
0x23: {  	s9 =	sor.u32 $0xD0000000, s2;
	s6 =	simm.s32 $0x108;
	_ =	swait.ge @!p0 [sflag:s8], $0x0  }
0x24: {  	s3 =	sadd.s32 $0x88, s3;
	s6 =	simm.s32 @!p1 $0x1082;
	[sflag:s4] =	ssyncset.s32 $0xFFFFF086  }
0x25: {  	[simem:s6], [sflag:s4] =	dma.local [hbm:s3], $0xF7A  }
0x26: {  	[smem:$0x3F97] =	sst s1;
	(tag) =	ssettag s2;
	_ =	strace s9  }
0x27: {  	s1 =	sld [smem:$0x3FA7]  }
0x28: {  	s2 =	sld [smem:$0x3FA8]  }
0x29: {  	s4 =	sld [smem:$0x3FAA]  }
0x2a: {  	p0 =	seq.s32 s5, $0x0;
	s5 =	sld [smem:$0x3FAB]  }
0x2b: {  	s6 =	sld [smem:$0x3FAC]  }
0x2c: {  	s7 =	sld [smem:$0x3FAD]  }
0x2d: {  	s3 =	simm.s32 $0x108;
	s8 =	sld [smem:$0x3FAE]  }
0x2e: {  	s3 =	simm.s32 @!p0 $0x1082;
	s9 =	sld [smem:$0x3FAF]  }
0x2f: {  	lr =	sadd.s32 s0, s3;
	s0 =	sld [smem:$0x3FA6]  }
0x30: {  	s3 =	sld [smem:$0x3FA9]  }
0x31: {  	[smem:$0x3FB2] =	sst s10  }
0x32: {  	s10 =	sld [smem:$0x3FB0];
	_ =	sdelay $0x3  }
0x33: {  	p0 =	seq.s32 s10, $0x1;
	s10 =	sld [smem:$0x3FB2];
	_ =	sdelay $0x3  }
0x34: {  	[smem:$0x3FB2] =	sst s10  }
0x35: {  	s10 =	sld [smem:$0x3FB1];
	_ =	sdelay $0x3  }
0x36: {  	p1 =	seq.s32 s10, $0x1;
	s10 =	sld [smem:$0x3FB2];
	_ =	sdelay $0x3  }
0x37: {  	[smem:$0x3FB2] =	sst s10  }
0x38: {  	s10 =	sld [smem:$0x3FB3]  }
0x39: {  	_ = 	snop;
	(pc) =	sbr.ind lr, $3  }
0x3a: {  	_ = 	snop  }
0x3b: {  	_ = 	snop  }
0x3c: {  	p2 =	seq.s32 s10, $0x1;
	s10 =	sld [smem:$0x3FB2]  }
0x3d: {  	_ =	shalt  }
0x3e: {  	_ =	shalt  }
0x3f: {  	_ =	shalt  }
0x40: {  	_ =	shalt  }
0x41: {  	_ =	shalt  }
0x42: {  	_ =	shalt  }
0x43: {  	_ =	shalt  }
0x44: {  	_ =	shalt  }
0x45: {  	_ =	shalt  }
0x46: {  	_ =	shalt  }
0x47: {  	_ =	shalt  }
0x48: {  	_ =	shalt  }
0x49: {  	_ =	shalt  }
0x4a: {  	_ =	shalt  }
0x4b: {  	_ =	shalt  }
0x4c: {  	_ =	shalt  }
0x4d: {  	_ =	shalt  }
0x4e: {  	_ =	shalt  }
0x4f: {  	_ =	shalt  }
0x50: {  	_ =	shalt  }
0x51: {  	_ =	shalt  }
0x52: {  	_ =	shalt  }
0x53: {  	_ =	shalt  }
0x54: {  	_ =	shalt  }
0x55: {  	_ =	shalt  }
0x56: {  	_ =	shalt  }
0x57: {  	_ =	shalt  }
0x58: {  	_ =	shalt  }
0x59: {  	_ =	shalt  }
0x5a: {  	_ =	shalt  }
0x5b: {  	_ =	shalt  }
0x5c: {  	_ =	shalt  }
0x5d: {  	_ =	shalt  }
0x5e: {  	_ =	shalt  }
0x5f: {  	_ =	shalt  }
0x60: {  	_ =	shalt  }
0x61: {  	_ =	shalt  }
0x62: {  	_ =	shalt  }
0x63: {  	_ =	shalt  }
0x64: {  	_ =	shalt  }
0x65: {  	_ =	shalt  }
0x66: {  	_ =	shalt  }
0x67: {  	_ =	shalt  }
0x68: {  	_ =	shalt  }
0x69: {  	_ =	shalt  }
0x6a: {  	_ =	shalt  }
0x6b: {  	_ =	shalt  }
0x6c: {  	_ =	shalt  }
0x6d: {  	_ =	shalt  }
0x6e: {  	_ =	shalt  }
0x6f: {  	_ =	shalt  }
0x70: {  	_ =	shalt  }
0x71: {  	_ =	shalt  }
0x72: {  	_ =	shalt  }
0x73: {  	_ =	shalt  }
0x74: {  	_ =	shalt  }
0x75: {  	_ =	shalt  }
0x76: {  	_ =	shalt  }
0x77: {  	_ =	shalt  }
0x78: {  	_ =	shalt  }
0x79: {  	_ =	shalt  }
0x7a: {  	_ =	shalt  }
0x7b: {  	_ =	shalt  }
0x7c: {  	_ =	shalt  }
0x7d: {  	_ =	shalt  }
0x7e: {  	_ =	shalt  }
0x7f: {  	_ =	shalt  }
0x80: {  	_ =	shalt  }
0x81: {  	_ =	shalt  }
0x82: {  	_ =	shalt  }
0x83: {  	_ =	shalt  }
0x84: {  	_ =	shalt  }
0x85: {  	_ =	shalt  }
0x86: {  	_ =	shalt  }
0x87: {  	_ =	shalt  }
.Lfunc_end0:
.L_simem_size_0:
called_computation.1_lowered:
.L_overlay_start_0:
0x88: {  	s2 =	sld [smem:$0x3FD9]  }
0x89: {  	s3 =	sld [smem:$0x3FFE];
	_ =	sdelay $0x1  }
0x8a: {  	s1 =	srdreg.scid  }
0x8b: {  	s0 =	sand.u32 $0x1, s1  }
0x8c: {  	s16 =	sshll.u32 s0, $0xA;
	s2 =	sadd.s32 s3, s2  }
0x8d: {  	s2 =	sadd.s32 s2, s16  }
0x8e: {  	[smem:$0x3FBE] =	sst s2  }
0x8f: {  	_ = 	snop  }
0x90: {  	(tm) =	ssettm $0x1  }
0x91: {  	s17 =	sld [smem:$0x3FFB];
	_ =	sdelay $0x3  }
0x92: {  	_ =	strace s17  }
0x93: {  	s2 =	sld [smem:$0x3FFC];
	_ =	sdelay $0x3  }
0x94: {  	_ =	strace s2  }
0x95: {  	s2 =	sld [smem:$0x3FFD];
	_ =	sdelay $0x3  }
0x96: {  	_ =	strace s2  }
0x97: {  	_ =	strace $0x8FFFFFFF  }
0x98: {  	s18 =	sld [smem:$0x3FDB];
	_ =	sdelay $0x1  }
0x99: {  	s19 =	simm.s32 $_scs_section_size  }
0x9a: {  	s4 =	simm.s32 $_size__tile_overlayer_lowered;
	s5 =	simm.s32 $_tile_overlayer_lowered  }
0x9b: {  	s22 =	simm.s32 $0x1BFF;
	s21 =	sshll.u32 s5, $0x1;
	s2 =	sadd.s32 s19, s18  }
0x9c: {  	s6 =	simm.s32 $0x0;
	s20 =	sshll.u32 s4, $0x1;
	s4 =	sadd.s32 s21, s2  }
0x9d: {  	[timem:s6], [sflag:s22] =	dma.local [hbm:s4], s20  }
0x9e: {  	_ =	swait.ge [sflag:s22], s20  }
0x9f: {  	s3 =	ssub.s32 $0x0, s20;
	[sflag:s22] =	ssyncset.done $0x0  }
0xa0: {  	[sflag:s22] =	ssyncadd.s32 s3;
	_ =	sdelay $0x1  }
0xa1: {  	s23 =	simm.s32 $0x1B8B  }
0xa2: {  	_ =	swait.ge [sflag:s23], $0x1  }
0xa3: {  	[sflag:s23] =	ssyncset.done $0x0  }
0xa4: {  	s25 =	simm.s32 $0x1B8E;
	s24 =	sld [smem:$0x3FFE];
	[sflag:s23] =	ssyncadd.s32 $0xFFFFFFFF  }
0xa5: {  	s26 =	simm.s32 $execute0_lowered;
	[smem:$0x3FD2] =	sst s25  }
0xa6: {  	s4 =	sshll.u32 s26, $0x1;
	_ =	strace $0x80000049;
	[dreg:$0x1] =	wrdreg $0xFFFFFFFF  }
0xa7: {  	s28 =	simm.s32 $_size_execute0_lowered;
	s2 =	sadd.s32 s2, s4;
	[dreg:$0x0] =	wrdreg $0x0  }
0xa8: {  	s4 =	sshll.u32 s28, $0x1;
	[dreg:$0x2] =	wrdreg s2  }
0xa9: {  	[dreg:$0x3] =	wrdreg s4  }
0xaa: {  	[dreg:$0x4] =	wrdreg $0xC0  }
0xab: {  	_ =	task [dreg:s6], $0x5FFFF  }
0xac: {  	[dreg:$0x1] =	wrdreg $0xFFFFFFFF  }
0xad: {  	[dreg:$0x0] =	wrdreg $0x60  }
0xae: {  	[dreg:$0x2] =	wrdreg s24  }
0xaf: {  	[dreg:$0x3] =	wrdreg $0x70000  }
0xb0: {  	[dreg:$0x4] =	wrdreg $0x9  }
0xb1: {  	_ =	task.clear_ibuf [dreg:s6], $0x5FFFF;
	_ =	strace $0x90000049  }
0xb2: {  	s29 =	simm.s32 $0x9;
	_ =	strace $0x8000004B  }
0xb3: {  	_ =	swait.ge [sflag:s29], $0x1  }
0xb4: {  	[sflag:s29] =	ssyncadd.s32 $0xFFFFFFFF  }
0xb5: {  	_ =	strace $0x9000004B  }
0xb6: {  	_ =	sfence  }
0xb7: {  	s30 =	sld [smem:$0x0];
	_ =	sdelay $0x2  }
0xb8: {  	s31 =	sshll.u32 s1, $0xD;
	s1 =	sshrl.u32 s1, $0x2  }
0xb9: {  	s3 =	sand.u32 $0x4000, s31;
	s1 =	sadd.s32 s1, s30  }
0xba: {  	s0 =	sor.u32 s3, s0;
	s1 =	sshll.u32 s1, $0x11  }
0xbb: {  	s0 =	sor.u32 s1, s0  }
0xbc: {  	s0 =	sadd.s32 $0x8F2B, s0  }
0xbd: {  	[sflag:s0] =	ssyncadd.remote.s32 $0x1  }
0xbe: {  	_ =	sfence.sel $0xFFFF  }
0xbf: {  	[dreg:$0x0] =	wrdreg $0xFFFFFFFF;
	(pc) =	sbr.abs _section_cstart, $3  }
0xc0: {  	[dreg:$0x1] =	wrdreg $0xFFFFFFFF  }
0xc1: {  	_ =	task.clear_ibuf [dreg:s6], $0x2FFFF;
	_ =	strace $0x9FFFFFFF  }
0xc2: {  	(tm) =	ssettm $0x7FFFFFFF  }
0xc3: {  	_ =	shalt  }
tec
execute0_lowered:
.L_overlay_start_1:
0x0: {  	(tag) =	ssettag $0x1  }
0x1: {  	s6 =	rddreg [dreg:$0x0]  }
0x2: {  	s0 =	srdreg.scid;
	s2 =	rddreg [dreg:$0x1]  }
0x3: {  	s3 =	simm.s32 $0x0;
	s14 =	simm.s32 $0x80;
	s15 =	simm.s32 $0x5000  }
0x4: {  	s16 =	simm.s32 $0x1;
	s5 =	sand.u32 $0x1, s0;
	s0 =	stileid.u32  }
0x5: {  	s17 =	simm.s32 $0x0;
	[smem:$0x7FF] =	sst s3;
	s7 =	smul.u32 $0x9E00, s0  }
0x6: {  	s1 =	sshll.u32 s5, $0x4;
	s8 =	smul.u32 $0x9E000, s5;
	s5 =	ssub.s32 $0x2, s5  }
0x7: {  	s31 =	sshll.u32 s0, $0x6;
	s1 =	sor.u32 s0, s1;
	s11 =	sshrl.u32 s5, $0x1  }
0x8: {  	s4 =	smul.u32 $0x500, s1;
	s1 =	rddreg [dreg:$0x2];
	_ =	strace $0x8000004A  }
0x9: {  	s8 =	sadd.s32 s7, s8;
	s10 =	sshrl.u32 s7, $0x3;
	s11 =	ssub.s32 s5, s11  }
0xa: {  	s13 =	sadd.s32 s7, s2;
	s8 =	sshrl.u32 s8, $0x3;
	s10 =	sadd.s32 s10, s6  }
0xb: {  	s9 =	sadd.s32 s4, s6;
	s4 =	sadd.s32 $0x2A000, s6;
	s12 =	sadd.s32 s8, s6  }
0xc: {  	s5 =	sadd.s32 $0x47E00, s10;
	s6 =	sor.u32 $0x1C02, s31;
	s10 =	smax.u32 s11, $0x1  }
0xd: {  	s11 =	sshrl.u32 s13, $0x3;
	s13 =	simm.s32 $0x2800;
	s7 =	sadd.s32 $0xC200, s9  }
0xe: {  	s8 =	sadd.s32 $0x3DE00, s9;
	s9 =	sadd.s32 $0x5BA00, s12;
	s12 =	simm.s32 $0x2  }
.LBB2_1:
0xf: {  	[spmem:s11], [sflag:s6] =	dma.local [hbm:s5], $0x13C0  }
0x10: {  	_ =	swait.ge [sflag:s12], $0x13C0  }
0x11: {  	[sflag:s12] =	ssyncset.done $0x0  }
0x12: {  	[sflag:s12] =	ssyncadd.s32 $0xFFFFEC40  }
0x13: {  	[tilespmem:s3], [sflag:$0x2] =	stream.linear.gather [hbm4b:s7+s3], $0x2800, $0x38;
	[tilespmem:$0x10E00] =	vst v63  }
0x14: {  	_ =	swait.ge [sflag:s12], $0x2800  }
0x15: {  	[sflag:s12] =	ssyncset.done $0x0  }
0x16: {  	[sflag:s12] =	ssyncadd.s32 $0xFFFFD800  }
0x17: {  	[tilespmem:s13], [sflag:$0x2] =	stream.linear.gather [hbm4b:s8+s3], $0x2800, $0x38;
	[tilespmem:$0x10E00] =	vst v63  }
0x18: {  	_ =	swait.ge [sflag:s12], $0x2800  }
0x19: {  	[sflag:s12] =	ssyncset.done $0x0  }
0x1a: {  	[sflag:s12] =	ssyncadd.s32 $0xFFFFD800  }
0x1b: {  	s18 =	simm.s32 $0x0;
	[bflag:$0x0] =	sbarrier.arrive $0xFFFF  }
0x1c: {  	[tilespmem:s15], [sflag:$0x1] =	stream.indirect.gather [hbm4b:s4+s14], $0x40, s18, s14, $0xb8;
	[tilespmem:$0x10E00] =	vst v63  }
0x1d: {  	_ =	swait.ge [sflag:s16], $0x2000  }
0x1e: {  	[sflag:s16] =	ssyncset.done $0x0  }
0x1f: {  	s31 =	simm.s32 $0x2800;
	[sflag:s16] =	ssyncadd.s32 $0xFFFFE000  }
0x20: {  	[spmem:s2] =	stream.indirect.scatter.add.f32 [tilespmem:s15], [sflag:$0x2], $0x40, s31, s14, $0xb8;
	[tilespmem:$0x10E00] =	vst v63  }
0x21: {  	_ =	swait.ge [sflag:s12], $0x2000  }
0x22: {  	s19 =	simm.s32 $0x400;
	s18 =	simm.s32 $0x200;
	[sflag:s12] =	ssyncset.done $0x0  }
.LBB2_2:
0x23: {  	s20 =	sshra.s32 s18, $0x2  }
0x24: {  	[sflag:s12] =	ssyncadd.s32 $0xFFFFE000;
	s18 =	smov.u32 s19;
	s21 =	sadd.s32 $0x200, s19  }
0x25: {  	[tilespmem:s15], [sflag:$0x1] =	stream.indirect.gather [hbm4b:s4+s14], $0x40, s20, s14, $0xb8;
	[tilespmem:$0x10E00] =	vst v63  }
0x26: {  	p0 =	sne.s32 s19, $0x9E00;
	_ =	swait.ge [sflag:s16], $0x2000  }
.Ltmp0:
0x27: {  	[sflag:s16] =	ssyncset.done $0x0;
	(pc) =	sbr.rel @p0 .LBB2_2-.Ltmp0, $4  }
0x28: {  	s19 =	sadd.s32 $0x2800, s20;
	[sflag:s16] =	ssyncadd.s32 $0xFFFFE000  }
0x29: {  	[spmem:s2] =	stream.indirect.scatter.add.f32 [tilespmem:s15], [sflag:$0x2], $0x40, s19, s14, $0xb8;
	[tilespmem:$0x10E00] =	vst v63  }
0x2a: {  	_ =	swait.ge [sflag:s12], $0x2000  }
0x2b: {  	s19 =	smov.u32 s21;
	[sflag:s12] =	ssyncset.done $0x0  }
0x2c: {  	s18 =	sshra.s32 s18, $0x2;
	[sflag:s12] =	ssyncadd.s32 $0xFFFFE000  }
0x2d: {  	[tilespmem:s15], [sflag:$0x1] =	stream.indirect.gather [hbm4b:s4+s14], $0x40, s18, s14, $0xb8;
	[tilespmem:$0x10E00] =	vst v63  }
0x2e: {  	_ =	swait.ge [sflag:s16], $0x2000  }
0x2f: {  	[sflag:s16] =	ssyncset.done $0x0  }
0x30: {  	s18 =	sadd.s32 $0x2800, s18;
	[sflag:s16] =	ssyncadd.s32 $0xFFFFE000  }
0x31: {  	[spmem:s2] =	stream.indirect.scatter.add.f32 [tilespmem:s15], [sflag:$0x2], $0x40, s18, s14, $0xb8;
	[tilespmem:$0x10E00] =	vst v63  }
0x32: {  	_ =	swait.ge [sflag:s12], $0x2000  }
0x33: {  	s17 =	sadd.s32 $0x1, s17;
	[sflag:s12] =	ssyncset.done $0x0  }
0x34: {  	p0 =	sne.s32 s17, s10;
	[sflag:s12] =	ssyncadd.s32 $0xFFFFE000  }
.Ltmp1:
0x35: {  	[bflag:$0x0] =	sbarrier.arrive $0xFFFF;
	(pc) =	sbr.rel @p0 .LBB2_1-.Ltmp1, $4  }
0x36: {  	[hbm:s9], [sflag:s6] =	dma.local [spmem:s11], $0x13C0  }
0x37: {  	_ =	swait.ge [sflag:s12], $0x13C0  }
0x38: {  	[sflag:s12] =	ssyncset.done $0x0  }
0x39: {  	[sflag:s12] =	ssyncadd.s32 $0xFFFFEC40  }
0x3a: {  	_ =	sfence.sel $0x180000  }
0x3b: {  	[bflag:$0x0] =	sbarrier.arrive $0xFFFF  }
0x3c: {  	p0 =	sne.s32 s0, $0x0;
	_ =	strace $0x9000004A  }
0x3d: {  	s0 =	sadd.s32 @!p0 $0x100000, s1;
	[bflag:$0x2] =	sbarrier.arrive $0xFFFF  }
0x3e: {  	[sflag:s0] =	ssyncadd.tile.s32 @!p0 $0x1;
	_ =	shalt  }
.Lfunc_end2:
_tile_overlayer_lowered:
.L_overlay_start_2:
0x3f: {  	(tag) =	ssettag $0x2  }
0x40: {  	s0 =	rddreg [dreg:$0x0];
	s2 =	stileid.u32  }
0x41: {  	s1 =	rddreg [dreg:$0x1];
	p0 =	sne.s32 s2, $0x0  }
0x42: {  	s3 =	rddreg [dreg:$0x2];
	[bflag:$0x3] =	sbarrier.arrive $0xFFFF;
	s2 =	simm.s32 @!p0 $0x1C02  }
0x43: {  	[timem:s3], [sflag:s2] =	dma.local @!p0 [hbm:s0], s1  }
0x44: {  	s0 =	simm.s32 @!p0 $0x2  }
0x45: {  	_ =	swait.ge @!p0 [sflag:s0], s1  }
0x46: {  	s1 =	ssub.s32 @!p0 $0x0, s1;
	[sflag:s0] =	ssyncset.done @!p0 $0x0  }
0x47: {  	[sflag:s0] =	ssyncadd.s32 @!p0 s1  }
0x48: {  	[bflag:$0x3] =	sbarrier.arrive $0xFFFF  }
0x49: {  	_ =	shalt  }

// kernel: kernel.16.cloned.1.call-start
scs
__scs_entry_jumppad:
0x0: {  	(pc) =	sbr.rel $0x88, $3  }
0x1: {  	(tag) =	ssettag $0x0;
	lr =	simm.s32 $0x1  }
0x2: {  	[smem:$0x3F97] =	sst lr;
	_ =	strace $0xD0000000  }
0x3: {  	_ = 	snop  }
0x4: {  	_ = 	snop  }
0x5: {  	_ = 	snop  }
0x6: {  	_ = 	snop  }
0x7: {  	_ = 	snop  }
__scs_overlays_trampoline_lowered:
0x8: {  	[smem:$0x3FA6] =	sst s0  }
0x9: {  	[smem:$0x3FA7] =	sst s1  }
0xa: {  	[smem:$0x3FA8] =	sst s2  }
0xb: {  	[smem:$0x3FA9] =	sst s3  }
0xc: {  	[smem:$0x3FAA] =	sst s4  }
0xd: {  	[smem:$0x3FAB] =	sst s5  }
0xe: {  	[smem:$0x3FAC] =	sst s6  }
0xf: {  	[smem:$0x3FAD] =	sst s7  }
0x10: {  	[smem:$0x3FAE] =	sst s8  }
0x11: {  	[smem:$0x3FAF] =	sst s9;
	s0 =	simm.s32 @!p0 $0x0  }
0x12: {  	s1 =	sld [smem:$0x3F95];
	s0 =	simm.s32 @p0 $0x1  }
0x13: {  	[smem:$0x3FB0] =	sst s0;
	s0 =	simm.s32 @!p1 $0x0  }
0x14: {  	s2 =	sld [smem:$0x3F94];
	s0 =	simm.s32 @p1 $0x1  }
0x15: {  	[smem:$0x3FB1] =	sst s0;
	s0 =	simm.s32 @!p2 $0x0  }
0x16: {  	s3 =	sld [smem:$0x3FDB];
	s0 =	simm.s32 @p2 $0x1  }
0x17: {  	s4 =	simm.s32 $0x1BF5;
	[smem:$0x3FB3] =	sst s0  }
0x18: {  	s0 =	sld [smem:$0x3F96];
	_ =	swait.ge [sflag:s4], $0x0  }
0x19: {  	s7 =	sld [smem:$0x3F97]  }
0x1a: {  	s8 =	sadd.s32 $0xFFFFE003, lr  }
0x1b: {  	s9 =	sadd.s32 $0xFFFFFEF7, lr;
	s5 =	simm.s32 $0xFFFFFFFF;
	p2 =	slt.u32 s8, $0xFFFFF086  }
0x1c: {  	p1 =	slt.u32 s9, $0xF7A;
	s5 =	simm.s32 @!p2 $0x0  }
0x1d: {  	s5 =	simm.s32 @p1 $0x1;
	p0 =	seq.s32 s7, s2  }
0x1e: {  	s7 =	smul.u32 @!p0 $0xF7A, s2;
	p2 =	seq.s32 @!p0 s5, $0x0  }
0x1f: {  	s9 =	smul.u32 $0xF7A, s1;
	s8 =	simm.s32 @!p0 $0x1BF5;
	p2 =	por !p2, p0  }
0x20: {  	[sflag:s8] =	ssyncset.s32 @!p0 $0xFFFFF086;
	s6 =	sadd.s32 @!p0 s3, s7;
	s7 =	simm.s32 @!p0 $0x108  }
0x21: {  	s3 =	sadd.s32 s3, s9;
	s6 =	sadd.s32 @!p0 $0x88, s6;
	s7 =	simm.s32 @p2 $0x1082  }
0x22: {  	[simem:s7], [sflag:s8] =	dma.local @!p0 [hbm:s6], $0xF7A  }
0x23: {  	s9 =	sor.u32 $0xD0000000, s2;
	s6 =	simm.s32 $0x108;
	_ =	swait.ge @!p0 [sflag:s8], $0x0  }
0x24: {  	s3 =	sadd.s32 $0x88, s3;
	s6 =	simm.s32 @!p1 $0x1082;
	[sflag:s4] =	ssyncset.s32 $0xFFFFF086  }
0x25: {  	[simem:s6], [sflag:s4] =	dma.local [hbm:s3], $0xF7A  }
0x26: {  	[smem:$0x3F97] =	sst s1;
	(tag) =	ssettag s2;
	_ =	strace s9  }
0x27: {  	s1 =	sld [smem:$0x3FA7]  }
0x28: {  	s2 =	sld [smem:$0x3FA8]  }
0x29: {  	s4 =	sld [smem:$0x3FAA]  }
0x2a: {  	p0 =	seq.s32 s5, $0x0;
	s5 =	sld [smem:$0x3FAB]  }
0x2b: {  	s6 =	sld [smem:$0x3FAC]  }
0x2c: {  	s7 =	sld [smem:$0x3FAD]  }
0x2d: {  	s3 =	simm.s32 $0x108;
	s8 =	sld [smem:$0x3FAE]  }
0x2e: {  	s3 =	simm.s32 @!p0 $0x1082;
	s9 =	sld [smem:$0x3FAF]  }
0x2f: {  	lr =	sadd.s32 s0, s3;
	s0 =	sld [smem:$0x3FA6]  }
0x30: {  	s3 =	sld [smem:$0x3FA9]  }
0x31: {  	[smem:$0x3FB2] =	sst s10  }
0x32: {  	s10 =	sld [smem:$0x3FB0];
	_ =	sdelay $0x3  }
0x33: {  	p0 =	seq.s32 s10, $0x1;
	s10 =	sld [smem:$0x3FB2];
	_ =	sdelay $0x3  }
0x34: {  	[smem:$0x3FB2] =	sst s10  }
0x35: {  	s10 =	sld [smem:$0x3FB1];
	_ =	sdelay $0x3  }
0x36: {  	p1 =	seq.s32 s10, $0x1;
	s10 =	sld [smem:$0x3FB2];
	_ =	sdelay $0x3  }
0x37: {  	[smem:$0x3FB2] =	sst s10  }
0x38: {  	s10 =	sld [smem:$0x3FB3]  }
0x39: {  	_ = 	snop;
	(pc) =	sbr.ind lr, $3  }
0x3a: {  	_ = 	snop  }
0x3b: {  	_ = 	snop  }
0x3c: {  	p2 =	seq.s32 s10, $0x1;
	s10 =	sld [smem:$0x3FB2]  }
0x3d: {  	_ =	shalt  }
0x3e: {  	_ =	shalt  }
0x3f: {  	_ =	shalt  }
0x40: {  	_ =	shalt  }
0x41: {  	_ =	shalt  }
0x42: {  	_ =	shalt  }
0x43: {  	_ =	shalt  }
0x44: {  	_ =	shalt  }
0x45: {  	_ =	shalt  }
0x46: {  	_ =	shalt  }
0x47: {  	_ =	shalt  }
0x48: {  	_ =	shalt  }
0x49: {  	_ =	shalt  }
0x4a: {  	_ =	shalt  }
0x4b: {  	_ =	shalt  }
0x4c: {  	_ =	shalt  }
0x4d: {  	_ =	shalt  }
0x4e: {  	_ =	shalt  }
0x4f: {  	_ =	shalt  }
0x50: {  	_ =	shalt  }
0x51: {  	_ =	shalt  }
0x52: {  	_ =	shalt  }
0x53: {  	_ =	shalt  }
0x54: {  	_ =	shalt  }
0x55: {  	_ =	shalt  }
0x56: {  	_ =	shalt  }
0x57: {  	_ =	shalt  }
0x58: {  	_ =	shalt  }
0x59: {  	_ =	shalt  }
0x5a: {  	_ =	shalt  }
0x5b: {  	_ =	shalt  }
0x5c: {  	_ =	shalt  }
0x5d: {  	_ =	shalt  }
0x5e: {  	_ =	shalt  }
0x5f: {  	_ =	shalt  }
0x60: {  	_ =	shalt  }
0x61: {  	_ =	shalt  }
0x62: {  	_ =	shalt  }
0x63: {  	_ =	shalt  }
0x64: {  	_ =	shalt  }
0x65: {  	_ =	shalt  }
0x66: {  	_ =	shalt  }
0x67: {  	_ =	shalt  }
0x68: {  	_ =	shalt  }
0x69: {  	_ =	shalt  }
0x6a: {  	_ =	shalt  }
0x6b: {  	_ =	shalt  }
0x6c: {  	_ =	shalt  }
0x6d: {  	_ =	shalt  }
0x6e: {  	_ =	shalt  }
0x6f: {  	_ =	shalt  }
0x70: {  	_ =	shalt  }
0x71: {  	_ =	shalt  }
0x72: {  	_ =	shalt  }
0x73: {  	_ =	shalt  }
0x74: {  	_ =	shalt  }
0x75: {  	_ =	shalt  }
0x76: {  	_ =	shalt  }
0x77: {  	_ =	shalt  }
0x78: {  	_ =	shalt  }
0x79: {  	_ =	shalt  }
0x7a: {  	_ =	shalt  }
0x7b: {  	_ =	shalt  }
0x7c: {  	_ =	shalt  }
0x7d: {  	_ =	shalt  }
0x7e: {  	_ =	shalt  }
0x7f: {  	_ =	shalt  }
0x80: {  	_ =	shalt  }
0x81: {  	_ =	shalt  }
0x82: {  	_ =	shalt  }
0x83: {  	_ =	shalt  }
0x84: {  	_ =	shalt  }
0x85: {  	_ =	shalt  }
0x86: {  	_ =	shalt  }
0x87: {  	_ =	shalt  }
.Lfunc_end0:
.L_simem_size_0:
called_computation.2_lowered:
.L_overlay_start_0:
0x88: {  	s2 =	sld [smem:$0x3FD9]  }
0x89: {  	s3 =	sld [smem:$0x3FFE];
	_ =	sdelay $0x1  }
0x8a: {  	s1 =	srdreg.scid  }
0x8b: {  	s0 =	sand.u32 $0x1, s1  }
0x8c: {  	s16 =	sshll.u32 s0, $0xA;
	s2 =	sadd.s32 s3, s2  }
0x8d: {  	s2 =	sadd.s32 s2, s16  }
0x8e: {  	[smem:$0x3FBE] =	sst s2  }
0x8f: {  	_ = 	snop  }
0x90: {  	(tm) =	ssettm $0x1  }
0x91: {  	s17 =	sld [smem:$0x3FFB];
	_ =	sdelay $0x3  }
0x92: {  	_ =	strace s17  }
0x93: {  	s2 =	sld [smem:$0x3FFC];
	_ =	sdelay $0x3  }
0x94: {  	_ =	strace s2  }
0x95: {  	s2 =	sld [smem:$0x3FFD];
	_ =	sdelay $0x3  }
0x96: {  	_ =	strace s2  }
0x97: {  	_ =	strace $0x8FFFFFFF  }
0x98: {  	s18 =	sld [smem:$0x3FDB];
	_ =	sdelay $0x1  }
0x99: {  	s19 =	simm.s32 $_scs_section_size  }
0x9a: {  	s4 =	simm.s32 $_size__tile_overlayer_lowered;
	s5 =	simm.s32 $_tile_overlayer_lowered  }
0x9b: {  	s22 =	simm.s32 $0x1BFF;
	s21 =	sshll.u32 s5, $0x1;
	s2 =	sadd.s32 s19, s18  }
0x9c: {  	s6 =	simm.s32 $0x0;
	s20 =	sshll.u32 s4, $0x1;
	s4 =	sadd.s32 s21, s2  }
0x9d: {  	[timem:s6], [sflag:s22] =	dma.local [hbm:s4], s20  }
0x9e: {  	_ =	swait.ge [sflag:s22], s20  }
0x9f: {  	s3 =	ssub.s32 $0x0, s20;
	[sflag:s22] =	ssyncset.done $0x0  }
0xa0: {  	[sflag:s22] =	ssyncadd.s32 s3;
	_ =	sdelay $0x1  }
0xa1: {  	s23 =	simm.s32 $0x1B8B  }
0xa2: {  	_ =	swait.ge [sflag:s23], $0x1  }
0xa3: {  	[sflag:s23] =	ssyncset.done $0x0  }
0xa4: {  	s25 =	simm.s32 $0x1B8E;
	s24 =	sld [smem:$0x3FFE];
	[sflag:s23] =	ssyncadd.s32 $0xFFFFFFFF  }
0xa5: {  	s26 =	simm.s32 $execute0_lowered;
	[smem:$0x3FD2] =	sst s25  }
0xa6: {  	s4 =	sshll.u32 s26, $0x1;
	_ =	strace $0x8000004C;
	[dreg:$0x1] =	wrdreg $0xFFFFFFFF  }
0xa7: {  	s28 =	simm.s32 $_size_execute0_lowered;
	s2 =	sadd.s32 s2, s4;
	[dreg:$0x0] =	wrdreg $0x0  }
0xa8: {  	s4 =	sshll.u32 s28, $0x1;
	[dreg:$0x2] =	wrdreg s2  }
0xa9: {  	[dreg:$0x3] =	wrdreg s4  }
0xaa: {  	[dreg:$0x4] =	wrdreg $0xC0  }
0xab: {  	_ =	task [dreg:s6], $0x5FFFF  }
0xac: {  	[dreg:$0x1] =	wrdreg $0xFFFFFFFF  }
0xad: {  	[dreg:$0x0] =	wrdreg $0x60  }
0xae: {  	[dreg:$0x2] =	wrdreg s24  }
0xaf: {  	[dreg:$0x3] =	wrdreg $0x60000  }
0xb0: {  	[dreg:$0x4] =	wrdreg $0x9  }
0xb1: {  	_ =	task.clear_ibuf [dreg:s6], $0x5FFFF;
	_ =	strace $0x9000004C  }
0xb2: {  	s29 =	simm.s32 $0x9;
	_ =	strace $0x8000004E  }
0xb3: {  	_ =	swait.ge [sflag:s29], $0x1  }
0xb4: {  	[sflag:s29] =	ssyncadd.s32 $0xFFFFFFFF  }
0xb5: {  	_ =	strace $0x9000004E  }
0xb6: {  	_ =	sfence  }
0xb7: {  	s30 =	sld [smem:$0x0];
	_ =	sdelay $0x2  }
0xb8: {  	s31 =	sshll.u32 s1, $0xD;
	s1 =	sshrl.u32 s1, $0x2  }
0xb9: {  	s3 =	sand.u32 $0x4000, s31;
	s1 =	sadd.s32 s1, s30  }
0xba: {  	s0 =	sor.u32 s3, s0;
	s1 =	sshll.u32 s1, $0x11  }
0xbb: {  	s0 =	sor.u32 s1, s0  }
0xbc: {  	s0 =	sadd.s32 $0x8F2B, s0  }
0xbd: {  	[sflag:s0] =	ssyncadd.remote.s32 $0x1  }
0xbe: {  	_ =	sfence.sel $0xFFFF  }
0xbf: {  	[dreg:$0x0] =	wrdreg $0xFFFFFFFF;
	(pc) =	sbr.abs _section_cstart, $3  }
0xc0: {  	[dreg:$0x1] =	wrdreg $0xFFFFFFFF  }
0xc1: {  	_ =	task.clear_ibuf [dreg:s6], $0x2FFFF;
	_ =	strace $0x9FFFFFFF  }
0xc2: {  	(tm) =	ssettm $0x7FFFFFFF  }
0xc3: {  	_ =	shalt  }
tec
execute0_lowered:
.L_overlay_start_1:
0x0: {  	(tag) =	ssettag $0x1  }
0x1: {  	s6 =	rddreg [dreg:$0x0]  }
0x2: {  	s0 =	srdreg.scid;
	s2 =	rddreg [dreg:$0x1]  }
0x3: {  	s3 =	simm.s32 $0x0;
	s14 =	simm.s32 $0x80;
	s15 =	simm.s32 $0x5000  }
0x4: {  	s16 =	simm.s32 $0x1;
	s5 =	sand.u32 $0x1, s0;
	s0 =	stileid.u32  }
0x5: {  	s17 =	simm.s32 $0x0;
	[smem:$0x7FF] =	sst s3;
	s7 =	smul.u32 $0x4F00, s0  }
0x6: {  	s1 =	sshll.u32 s5, $0x4;
	s8 =	smul.u32 $0x4F000, s5;
	s5 =	ssub.s32 $0x2, s5  }
0x7: {  	s31 =	sshll.u32 s0, $0x6;
	s1 =	sor.u32 s0, s1;
	s11 =	sshrl.u32 s5, $0x1  }
0x8: {  	s4 =	smul.u32 $0x500, s1;
	s1 =	rddreg [dreg:$0x2];
	_ =	strace $0x8000004D  }
0x9: {  	s8 =	sadd.s32 s7, s8;
	s10 =	sshrl.u32 s7, $0x3;
	s11 =	ssub.s32 s5, s11  }
0xa: {  	s13 =	sadd.s32 s7, s2;
	s8 =	sshrl.u32 s8, $0x3;
	s10 =	sadd.s32 s10, s6  }
0xb: {  	s9 =	sadd.s32 s4, s6;
	s4 =	sadd.s32 $0x2200, s6;
	s12 =	sadd.s32 s8, s6  }
0xc: {  	s5 =	sadd.s32 $0x20200, s10;
	s6 =	sor.u32 $0x1C02, s31;
	s10 =	smax.u32 s11, $0x1  }
0xd: {  	s11 =	sshrl.u32 s13, $0x3;
	s13 =	simm.s32 $0x2800;
	s7 =	sadd.s32 $0xC200, s9  }
0xe: {  	s8 =	sadd.s32 $0x3DE00, s9;
	s9 =	sadd.s32 $0x2A000, s12;
	s12 =	simm.s32 $0x2  }
.LBB2_1:
0xf: {  	[spmem:s11], [sflag:s6] =	dma.local [hbm:s5], $0x9E0  }
0x10: {  	_ =	swait.ge [sflag:s12], $0x9E0  }
0x11: {  	[sflag:s12] =	ssyncset.done $0x0  }
0x12: {  	[sflag:s12] =	ssyncadd.s32 $0xFFFFF620  }
0x13: {  	[tilespmem:s3], [sflag:$0x2] =	stream.linear.gather [hbm4b:s7+s3], $0x2800, $0x38;
	[tilespmem:$0xAF00] =	vst v63  }
0x14: {  	_ =	swait.ge [sflag:s12], $0x2800  }
0x15: {  	[sflag:s12] =	ssyncset.done $0x0  }
0x16: {  	[sflag:s12] =	ssyncadd.s32 $0xFFFFD800  }
0x17: {  	[tilespmem:s13], [sflag:$0x2] =	stream.linear.gather [hbm4b:s8+s3], $0x2800, $0x38;
	[tilespmem:$0xAF00] =	vst v63  }
0x18: {  	_ =	swait.ge [sflag:s12], $0x2800  }
0x19: {  	[sflag:s12] =	ssyncset.done $0x0  }
0x1a: {  	[sflag:s12] =	ssyncadd.s32 $0xFFFFD800  }
0x1b: {  	s18 =	simm.s32 $0x0;
	[bflag:$0x0] =	sbarrier.arrive $0xFFFF  }
0x1c: {  	[tilespmem:s15], [sflag:$0x1] =	stream.indirect.gather [hbm4b:s4+s14], $0x20, s18, s14, $0xb8;
	[tilespmem:$0xAF00] =	vst v63  }
0x1d: {  	_ =	swait.ge [sflag:s16], $0x1000  }
0x1e: {  	[sflag:s16] =	ssyncset.done $0x0  }
0x1f: {  	s31 =	simm.s32 $0x2800;
	[sflag:s16] =	ssyncadd.s32 $0xFFFFF000  }
0x20: {  	[spmem:s2] =	stream.indirect.scatter.add.f32 [tilespmem:s15], [sflag:$0x2], $0x20, s31, s14, $0xb8;
	[tilespmem:$0xAF00] =	vst v63  }
0x21: {  	_ =	swait.ge [sflag:s12], $0x1000  }
0x22: {  	s19 =	simm.s32 $0x400;
	s18 =	simm.s32 $0x200;
	[sflag:s12] =	ssyncset.done $0x0  }
.LBB2_2:
0x23: {  	s20 =	sshra.s32 s18, $0x2  }
0x24: {  	[sflag:s12] =	ssyncadd.s32 $0xFFFFF000;
	s18 =	smov.u32 s19;
	s21 =	sadd.s32 $0x200, s19  }
0x25: {  	[tilespmem:s15], [sflag:$0x1] =	stream.indirect.gather [hbm4b:s4+s14], $0x20, s20, s14, $0xb8;
	[tilespmem:$0xAF00] =	vst v63  }
0x26: {  	p0 =	sne.s32 s19, $0x9E00;
	_ =	swait.ge [sflag:s16], $0x1000  }
.Ltmp0:
0x27: {  	[sflag:s16] =	ssyncset.done $0x0;
	(pc) =	sbr.rel @p0 .LBB2_2-.Ltmp0, $4  }
0x28: {  	s19 =	sadd.s32 $0x2800, s20;
	[sflag:s16] =	ssyncadd.s32 $0xFFFFF000  }
0x29: {  	[spmem:s2] =	stream.indirect.scatter.add.f32 [tilespmem:s15], [sflag:$0x2], $0x20, s19, s14, $0xb8;
	[tilespmem:$0xAF00] =	vst v63  }
0x2a: {  	_ =	swait.ge [sflag:s12], $0x1000  }
0x2b: {  	s19 =	smov.u32 s21;
	[sflag:s12] =	ssyncset.done $0x0  }
0x2c: {  	s18 =	sshra.s32 s18, $0x2;
	[sflag:s12] =	ssyncadd.s32 $0xFFFFF000  }
0x2d: {  	[tilespmem:s15], [sflag:$0x1] =	stream.indirect.gather [hbm4b:s4+s14], $0x20, s18, s14, $0xb8;
	[tilespmem:$0xAF00] =	vst v63  }
0x2e: {  	_ =	swait.ge [sflag:s16], $0x1000  }
0x2f: {  	[sflag:s16] =	ssyncset.done $0x0  }
0x30: {  	s18 =	sadd.s32 $0x2800, s18;
	[sflag:s16] =	ssyncadd.s32 $0xFFFFF000  }
0x31: {  	[spmem:s2] =	stream.indirect.scatter.add.f32 [tilespmem:s15], [sflag:$0x2], $0x20, s18, s14, $0xb8;
	[tilespmem:$0xAF00] =	vst v63  }
0x32: {  	_ =	swait.ge [sflag:s12], $0x1000  }
0x33: {  	s17 =	sadd.s32 $0x1, s17;
	[sflag:s12] =	ssyncset.done $0x0  }
0x34: {  	p0 =	sne.s32 s17, s10;
	[sflag:s12] =	ssyncadd.s32 $0xFFFFF000  }
.Ltmp1:
0x35: {  	[bflag:$0x0] =	sbarrier.arrive $0xFFFF;
	(pc) =	sbr.rel @p0 .LBB2_1-.Ltmp1, $4  }
0x36: {  	[hbm:s9], [sflag:s6] =	dma.local [spmem:s11], $0x9E0  }
0x37: {  	_ =	swait.ge [sflag:s12], $0x9E0  }
0x38: {  	[sflag:s12] =	ssyncset.done $0x0  }
0x39: {  	[sflag:s12] =	ssyncadd.s32 $0xFFFFF620  }
0x3a: {  	_ =	sfence.sel $0x180000  }
0x3b: {  	[bflag:$0x0] =	sbarrier.arrive $0xFFFF  }
0x3c: {  	p0 =	sne.s32 s0, $0x0;
	_ =	strace $0x9000004D  }
0x3d: {  	s0 =	sadd.s32 @!p0 $0x100000, s1;
	[bflag:$0x2] =	sbarrier.arrive $0xFFFF  }
0x3e: {  	[sflag:s0] =	ssyncadd.tile.s32 @!p0 $0x1;
	_ =	shalt  }
.Lfunc_end2:
_tile_overlayer_lowered:
.L_overlay_start_2:
0x3f: {  	(tag) =	ssettag $0x2  }
0x40: {  	s0 =	rddreg [dreg:$0x0];
	s2 =	stileid.u32  }
0x41: {  	s1 =	rddreg [dreg:$0x1];
	p0 =	sne.s32 s2, $0x0  }
0x42: {  	s3 =	rddreg [dreg:$0x2];
	[bflag:$0x3] =	sbarrier.arrive $0xFFFF;
	s2 =	simm.s32 @!p0 $0x1C02  }
0x43: {  	[timem:s3], [sflag:s2] =	dma.local @!p0 [hbm:s0], s1  }
0x44: {  	s0 =	simm.s32 @!p0 $0x2  }
0x45: {  	_ =	swait.ge @!p0 [sflag:s0], s1  }
0x46: {  	s1 =	ssub.s32 @!p0 $0x0, s1;
	[sflag:s0] =	ssyncset.done @!p0 $0x0  }
0x47: {  	[sflag:s0] =	ssyncadd.s32 @!p0 s1  }
0x48: {  	[bflag:$0x3] =	sbarrier.arrive $0xFFFF  }
0x49: {  	_ =	shalt  }

// kernel: kernel.19.cloned.1.call-start
scs
__scs_entry_jumppad:
0x0: {  	(pc) =	sbr.rel $0x88, $3  }
0x1: {  	(tag) =	ssettag $0x0;
	lr =	simm.s32 $0x1  }
0x2: {  	[smem:$0x3F97] =	sst lr;
	_ =	strace $0xD0000000  }
0x3: {  	_ = 	snop  }
0x4: {  	_ = 	snop  }
0x5: {  	_ = 	snop  }
0x6: {  	_ = 	snop  }
0x7: {  	_ = 	snop  }
__scs_overlays_trampoline_lowered:
0x8: {  	[smem:$0x3FA6] =	sst s0  }
0x9: {  	[smem:$0x3FA7] =	sst s1  }
0xa: {  	[smem:$0x3FA8] =	sst s2  }
0xb: {  	[smem:$0x3FA9] =	sst s3  }
0xc: {  	[smem:$0x3FAA] =	sst s4  }
0xd: {  	[smem:$0x3FAB] =	sst s5  }
0xe: {  	[smem:$0x3FAC] =	sst s6  }
0xf: {  	[smem:$0x3FAD] =	sst s7  }
0x10: {  	[smem:$0x3FAE] =	sst s8  }
0x11: {  	[smem:$0x3FAF] =	sst s9;
	s0 =	simm.s32 @!p0 $0x0  }
0x12: {  	s1 =	sld [smem:$0x3F95];
	s0 =	simm.s32 @p0 $0x1  }
0x13: {  	[smem:$0x3FB0] =	sst s0;
	s0 =	simm.s32 @!p1 $0x0  }
0x14: {  	s2 =	sld [smem:$0x3F94];
	s0 =	simm.s32 @p1 $0x1  }
0x15: {  	[smem:$0x3FB1] =	sst s0;
	s0 =	simm.s32 @!p2 $0x0  }
0x16: {  	s3 =	sld [smem:$0x3FDB];
	s0 =	simm.s32 @p2 $0x1  }
0x17: {  	s4 =	simm.s32 $0x1BF5;
	[smem:$0x3FB3] =	sst s0  }
0x18: {  	s0 =	sld [smem:$0x3F96];
	_ =	swait.ge [sflag:s4], $0x0  }
0x19: {  	s7 =	sld [smem:$0x3F97]  }
0x1a: {  	s8 =	sadd.s32 $0xFFFFE003, lr  }
0x1b: {  	s9 =	sadd.s32 $0xFFFFFEF7, lr;
	s5 =	simm.s32 $0xFFFFFFFF;
	p2 =	slt.u32 s8, $0xFFFFF086  }
0x1c: {  	p1 =	slt.u32 s9, $0xF7A;
	s5 =	simm.s32 @!p2 $0x0  }
0x1d: {  	s5 =	simm.s32 @p1 $0x1;
	p0 =	seq.s32 s7, s2  }
0x1e: {  	s7 =	smul.u32 @!p0 $0xF7A, s2;
	p2 =	seq.s32 @!p0 s5, $0x0  }
0x1f: {  	s9 =	smul.u32 $0xF7A, s1;
	s8 =	simm.s32 @!p0 $0x1BF5;
	p2 =	por !p2, p0  }
0x20: {  	[sflag:s8] =	ssyncset.s32 @!p0 $0xFFFFF086;
	s6 =	sadd.s32 @!p0 s3, s7;
	s7 =	simm.s32 @!p0 $0x108  }
0x21: {  	s3 =	sadd.s32 s3, s9;
	s6 =	sadd.s32 @!p0 $0x88, s6;
	s7 =	simm.s32 @p2 $0x1082  }
0x22: {  	[simem:s7], [sflag:s8] =	dma.local @!p0 [hbm:s6], $0xF7A  }
0x23: {  	s9 =	sor.u32 $0xD0000000, s2;
	s6 =	simm.s32 $0x108;
	_ =	swait.ge @!p0 [sflag:s8], $0x0  }
0x24: {  	s3 =	sadd.s32 $0x88, s3;
	s6 =	simm.s32 @!p1 $0x1082;
	[sflag:s4] =	ssyncset.s32 $0xFFFFF086  }
0x25: {  	[simem:s6], [sflag:s4] =	dma.local [hbm:s3], $0xF7A  }
0x26: {  	[smem:$0x3F97] =	sst s1;
	(tag) =	ssettag s2;
	_ =	strace s9  }
0x27: {  	s1 =	sld [smem:$0x3FA7]  }
0x28: {  	s2 =	sld [smem:$0x3FA8]  }
0x29: {  	s4 =	sld [smem:$0x3FAA]  }
0x2a: {  	p0 =	seq.s32 s5, $0x0;
	s5 =	sld [smem:$0x3FAB]  }
0x2b: {  	s6 =	sld [smem:$0x3FAC]  }
0x2c: {  	s7 =	sld [smem:$0x3FAD]  }
0x2d: {  	s3 =	simm.s32 $0x108;
	s8 =	sld [smem:$0x3FAE]  }
0x2e: {  	s3 =	simm.s32 @!p0 $0x1082;
	s9 =	sld [smem:$0x3FAF]  }
0x2f: {  	lr =	sadd.s32 s0, s3;
	s0 =	sld [smem:$0x3FA6]  }
0x30: {  	s3 =	sld [smem:$0x3FA9]  }
0x31: {  	[smem:$0x3FB2] =	sst s10  }
0x32: {  	s10 =	sld [smem:$0x3FB0];
	_ =	sdelay $0x3  }
0x33: {  	p0 =	seq.s32 s10, $0x1;
	s10 =	sld [smem:$0x3FB2];
	_ =	sdelay $0x3  }
0x34: {  	[smem:$0x3FB2] =	sst s10  }
0x35: {  	s10 =	sld [smem:$0x3FB1];
	_ =	sdelay $0x3  }
0x36: {  	p1 =	seq.s32 s10, $0x1;
	s10 =	sld [smem:$0x3FB2];
	_ =	sdelay $0x3  }
0x37: {  	[smem:$0x3FB2] =	sst s10  }
0x38: {  	s10 =	sld [smem:$0x3FB3]  }
0x39: {  	_ = 	snop;
	(pc) =	sbr.ind lr, $3  }
0x3a: {  	_ = 	snop  }
0x3b: {  	_ = 	snop  }
0x3c: {  	p2 =	seq.s32 s10, $0x1;
	s10 =	sld [smem:$0x3FB2]  }
0x3d: {  	_ =	shalt  }
0x3e: {  	_ =	shalt  }
0x3f: {  	_ =	shalt  }
0x40: {  	_ =	shalt  }
0x41: {  	_ =	shalt  }
0x42: {  	_ =	shalt  }
0x43: {  	_ =	shalt  }
0x44: {  	_ =	shalt  }
0x45: {  	_ =	shalt  }
0x46: {  	_ =	shalt  }
0x47: {  	_ =	shalt  }
0x48: {  	_ =	shalt  }
0x49: {  	_ =	shalt  }
0x4a: {  	_ =	shalt  }
0x4b: {  	_ =	shalt  }
0x4c: {  	_ =	shalt  }
0x4d: {  	_ =	shalt  }
0x4e: {  	_ =	shalt  }
0x4f: {  	_ =	shalt  }
0x50: {  	_ =	shalt  }
0x51: {  	_ =	shalt  }
0x52: {  	_ =	shalt  }
0x53: {  	_ =	shalt  }
0x54: {  	_ =	shalt  }
0x55: {  	_ =	shalt  }
0x56: {  	_ =	shalt  }
0x57: {  	_ =	shalt  }
0x58: {  	_ =	shalt  }
0x59: {  	_ =	shalt  }
0x5a: {  	_ =	shalt  }
0x5b: {  	_ =	shalt  }
0x5c: {  	_ =	shalt  }
0x5d: {  	_ =	shalt  }
0x5e: {  	_ =	shalt  }
0x5f: {  	_ =	shalt  }
0x60: {  	_ =	shalt  }
0x61: {  	_ =	shalt  }
0x62: {  	_ =	shalt  }
0x63: {  	_ =	shalt  }
0x64: {  	_ =	shalt  }
0x65: {  	_ =	shalt  }
0x66: {  	_ =	shalt  }
0x67: {  	_ =	shalt  }
0x68: {  	_ =	shalt  }
0x69: {  	_ =	shalt  }
0x6a: {  	_ =	shalt  }
0x6b: {  	_ =	shalt  }
0x6c: {  	_ =	shalt  }
0x6d: {  	_ =	shalt  }
0x6e: {  	_ =	shalt  }
0x6f: {  	_ =	shalt  }
0x70: {  	_ =	shalt  }
0x71: {  	_ =	shalt  }
0x72: {  	_ =	shalt  }
0x73: {  	_ =	shalt  }
0x74: {  	_ =	shalt  }
0x75: {  	_ =	shalt  }
0x76: {  	_ =	shalt  }
0x77: {  	_ =	shalt  }
0x78: {  	_ =	shalt  }
0x79: {  	_ =	shalt  }
0x7a: {  	_ =	shalt  }
0x7b: {  	_ =	shalt  }
0x7c: {  	_ =	shalt  }
0x7d: {  	_ =	shalt  }
0x7e: {  	_ =	shalt  }
0x7f: {  	_ =	shalt  }
0x80: {  	_ =	shalt  }
0x81: {  	_ =	shalt  }
0x82: {  	_ =	shalt  }
0x83: {  	_ =	shalt  }
0x84: {  	_ =	shalt  }
0x85: {  	_ =	shalt  }
0x86: {  	_ =	shalt  }
0x87: {  	_ =	shalt  }
.Lfunc_end0:
.L_simem_size_0:
called_computation.3_lowered:
.L_overlay_start_0:
0x88: {  	s2 =	sld [smem:$0x3FD9]  }
0x89: {  	s3 =	sld [smem:$0x3FFE];
	_ =	sdelay $0x1  }
0x8a: {  	s1 =	srdreg.scid  }
0x8b: {  	s0 =	sand.u32 $0x1, s1  }
0x8c: {  	s16 =	sshll.u32 s0, $0xA;
	s2 =	sadd.s32 s3, s2  }
0x8d: {  	s2 =	sadd.s32 s2, s16  }
0x8e: {  	[smem:$0x3FBE] =	sst s2  }
0x8f: {  	_ = 	snop  }
0x90: {  	(tm) =	ssettm $0x1  }
0x91: {  	s17 =	sld [smem:$0x3FFB];
	_ =	sdelay $0x3  }
0x92: {  	_ =	strace s17  }
0x93: {  	s2 =	sld [smem:$0x3FFC];
	_ =	sdelay $0x3  }
0x94: {  	_ =	strace s2  }
0x95: {  	s2 =	sld [smem:$0x3FFD];
	_ =	sdelay $0x3  }
0x96: {  	_ =	strace s2  }
0x97: {  	_ =	strace $0x8FFFFFFF  }
0x98: {  	s18 =	sld [smem:$0x3FDB];
	_ =	sdelay $0x1  }
0x99: {  	s19 =	simm.s32 $_scs_section_size  }
0x9a: {  	s4 =	simm.s32 $_size__tile_overlayer_lowered;
	s5 =	simm.s32 $_tile_overlayer_lowered  }
0x9b: {  	s22 =	simm.s32 $0x1BFF;
	s21 =	sshll.u32 s5, $0x1;
	s2 =	sadd.s32 s19, s18  }
0x9c: {  	s6 =	simm.s32 $0x0;
	s20 =	sshll.u32 s4, $0x1;
	s4 =	sadd.s32 s21, s2  }
0x9d: {  	[timem:s6], [sflag:s22] =	dma.local [hbm:s4], s20  }
0x9e: {  	_ =	swait.ge [sflag:s22], s20  }
0x9f: {  	s3 =	ssub.s32 $0x0, s20;
	[sflag:s22] =	ssyncset.done $0x0  }
0xa0: {  	[sflag:s22] =	ssyncadd.s32 s3;
	_ =	sdelay $0x1  }
0xa1: {  	s23 =	simm.s32 $0x1B8B  }
0xa2: {  	_ =	swait.ge [sflag:s23], $0x1  }
0xa3: {  	[sflag:s23] =	ssyncset.done $0x0  }
0xa4: {  	s25 =	simm.s32 $0x1B8E;
	s24 =	sld [smem:$0x3FFE];
	[sflag:s23] =	ssyncadd.s32 $0xFFFFFFFF  }
0xa5: {  	s26 =	simm.s32 $execute0_lowered;
	[smem:$0x3FD2] =	sst s25  }
0xa6: {  	s4 =	sshll.u32 s26, $0x1;
	_ =	strace $0x8000004F;
	[dreg:$0x1] =	wrdreg $0xFFFFFFFF  }
0xa7: {  	s28 =	simm.s32 $_size_execute0_lowered;
	s2 =	sadd.s32 s2, s4;
	[dreg:$0x0] =	wrdreg $0x0  }
0xa8: {  	s4 =	sshll.u32 s28, $0x1;
	[dreg:$0x2] =	wrdreg s2  }
0xa9: {  	[dreg:$0x3] =	wrdreg s4  }
0xaa: {  	[dreg:$0x4] =	wrdreg $0xC0  }
0xab: {  	_ =	task [dreg:s6], $0x5FFFF  }
0xac: {  	[dreg:$0x1] =	wrdreg $0xFFFFFFFF  }
0xad: {  	[dreg:$0x0] =	wrdreg $0x60  }
0xae: {  	[dreg:$0x2] =	wrdreg s24  }
0xaf: {  	[dreg:$0x3] =	wrdreg $0x58000  }
0xb0: {  	[dreg:$0x4] =	wrdreg $0x9  }
0xb1: {  	_ =	task.clear_ibuf [dreg:s6], $0x5FFFF;
	_ =	strace $0x9000004F  }
0xb2: {  	s29 =	simm.s32 $0x9;
	_ =	strace $0x80000051  }
0xb3: {  	_ =	swait.ge [sflag:s29], $0x1  }
0xb4: {  	[sflag:s29] =	ssyncadd.s32 $0xFFFFFFFF  }
0xb5: {  	_ =	strace $0x90000051  }
0xb6: {  	_ =	sfence  }
0xb7: {  	s30 =	sld [smem:$0x0];
	_ =	sdelay $0x2  }
0xb8: {  	s31 =	sshll.u32 s1, $0xD;
	s1 =	sshrl.u32 s1, $0x2  }
0xb9: {  	s3 =	sand.u32 $0x4000, s31;
	s1 =	sadd.s32 s1, s30  }
0xba: {  	s0 =	sor.u32 s3, s0;
	s1 =	sshll.u32 s1, $0x11  }
0xbb: {  	s0 =	sor.u32 s1, s0  }
0xbc: {  	s0 =	sadd.s32 $0x8F2B, s0  }
0xbd: {  	[sflag:s0] =	ssyncadd.remote.s32 $0x1  }
0xbe: {  	_ =	sfence.sel $0xFFFF  }
0xbf: {  	[dreg:$0x0] =	wrdreg $0xFFFFFFFF;
	(pc) =	sbr.abs _section_cstart, $3  }
0xc0: {  	[dreg:$0x1] =	wrdreg $0xFFFFFFFF  }
0xc1: {  	_ =	task.clear_ibuf [dreg:s6], $0x2FFFF;
	_ =	strace $0x9FFFFFFF  }
0xc2: {  	(tm) =	ssettm $0x7FFFFFFF  }
0xc3: {  	_ =	shalt  }
tec
execute0_lowered:
.L_overlay_start_1:
0x0: {  	(tag) =	ssettag $0x1  }
0x1: {  	s6 =	rddreg [dreg:$0x0]  }
0x2: {  	s0 =	srdreg.scid;
	s2 =	rddreg [dreg:$0x1]  }
0x3: {  	s3 =	simm.s32 $0x0;
	s14 =	simm.s32 $0x80;
	s15 =	simm.s32 $0x5000  }
0x4: {  	s16 =	simm.s32 $0x1;
	s5 =	sand.u32 $0x1, s0;
	s0 =	stileid.u32  }
0x5: {  	s17 =	simm.s32 $0x0;
	[smem:$0x7FF] =	sst s3;
	s7 =	smul.u32 $0x2780, s0  }
0x6: {  	s1 =	sshll.u32 s5, $0x4;
	s8 =	smul.u32 $0x27800, s5;
	s5 =	ssub.s32 $0x2, s5  }
0x7: {  	s31 =	sshll.u32 s0, $0x6;
	s1 =	sor.u32 s0, s1;
	s11 =	sshrl.u32 s5, $0x1  }
0x8: {  	s4 =	smul.u32 $0x500, s1;
	s1 =	rddreg [dreg:$0x2];
	_ =	strace $0x80000050  }
0x9: {  	s8 =	sadd.s32 s7, s8;
	s10 =	sshrl.u32 s7, $0x3;
	s11 =	ssub.s32 s5, s11  }
0xa: {  	s13 =	sadd.s32 s7, s2;
	s8 =	sshrl.u32 s8, $0x3;
	s10 =	sadd.s32 s10, s6  }
0xb: {  	s9 =	sadd.s32 s4, s6;
	s4 =	sadd.s32 $0x2200, s6;
	s12 =	sadd.s32 s8, s6  }
0xc: {  	s5 =	sadd.s32 $0x7200, s10;
	s6 =	sor.u32 $0x1C02, s31;
	s10 =	smax.u32 s11, $0x1  }
0xd: {  	s11 =	sshrl.u32 s13, $0x3;
	s13 =	simm.s32 $0x2800;
	s7 =	sadd.s32 $0xC200, s9  }
0xe: {  	s8 =	sadd.s32 $0x3DE00, s9;
	s9 =	sadd.s32 $0x16200, s12;
	s12 =	simm.s32 $0x2  }
.LBB2_1:
0xf: {  	[spmem:s11], [sflag:s6] =	dma.local [hbm:s5], $0x4F0  }
0x10: {  	_ =	swait.ge [sflag:s12], $0x4F0  }
0x11: {  	[sflag:s12] =	ssyncset.done $0x0  }
0x12: {  	[sflag:s12] =	ssyncadd.s32 $0xFFFFFB10  }
0x13: {  	[tilespmem:s3], [sflag:$0x2] =	stream.linear.gather [hbm4b:s7+s3], $0x2800, $0x38;
	[tilespmem:$0x7F80] =	vst v63  }
0x14: {  	_ =	swait.ge [sflag:s12], $0x2800  }
0x15: {  	[sflag:s12] =	ssyncset.done $0x0  }
0x16: {  	[sflag:s12] =	ssyncadd.s32 $0xFFFFD800  }
0x17: {  	[tilespmem:s13], [sflag:$0x2] =	stream.linear.gather [hbm4b:s8+s3], $0x2800, $0x38;
	[tilespmem:$0x7F80] =	vst v63  }
0x18: {  	_ =	swait.ge [sflag:s12], $0x2800  }
0x19: {  	[sflag:s12] =	ssyncset.done $0x0  }
0x1a: {  	[sflag:s12] =	ssyncadd.s32 $0xFFFFD800  }
0x1b: {  	s18 =	simm.s32 $0x0;
	[bflag:$0x0] =	sbarrier.arrive $0xFFFF  }
0x1c: {  	[tilespmem:s15], [sflag:$0x1] =	stream.indirect.gather [hbm4b:s4+s14], $0x10, s18, s14, $0xb8;
	[tilespmem:$0x7F80] =	vst v63  }
0x1d: {  	_ =	swait.ge [sflag:s16], $0x800  }
0x1e: {  	[sflag:s16] =	ssyncset.done $0x0  }
0x1f: {  	s31 =	simm.s32 $0x2800;
	[sflag:s16] =	ssyncadd.s32 $0xFFFFF800  }
0x20: {  	[spmem:s2] =	stream.indirect.scatter.add.f32 [tilespmem:s15], [sflag:$0x2], $0x10, s31, s14, $0xb8;
	[tilespmem:$0x7F80] =	vst v63  }
0x21: {  	_ =	swait.ge [sflag:s12], $0x800  }
0x22: {  	s19 =	simm.s32 $0x400;
	s18 =	simm.s32 $0x200;
	[sflag:s12] =	ssyncset.done $0x0  }
.LBB2_2:
0x23: {  	s20 =	sshra.s32 s18, $0x2  }
0x24: {  	[sflag:s12] =	ssyncadd.s32 $0xFFFFF800;
	s18 =	smov.u32 s19;
	s21 =	sadd.s32 $0x200, s19  }
0x25: {  	[tilespmem:s15], [sflag:$0x1] =	stream.indirect.gather [hbm4b:s4+s14], $0x10, s20, s14, $0xb8;
	[tilespmem:$0x7F80] =	vst v63  }
0x26: {  	p0 =	sne.s32 s19, $0x9E00;
	_ =	swait.ge [sflag:s16], $0x800  }
.Ltmp0:
0x27: {  	[sflag:s16] =	ssyncset.done $0x0;
	(pc) =	sbr.rel @p0 .LBB2_2-.Ltmp0, $4  }
0x28: {  	s19 =	sadd.s32 $0x2800, s20;
	[sflag:s16] =	ssyncadd.s32 $0xFFFFF800  }
0x29: {  	[spmem:s2] =	stream.indirect.scatter.add.f32 [tilespmem:s15], [sflag:$0x2], $0x10, s19, s14, $0xb8;
	[tilespmem:$0x7F80] =	vst v63  }
0x2a: {  	_ =	swait.ge [sflag:s12], $0x800  }
0x2b: {  	s19 =	smov.u32 s21;
	[sflag:s12] =	ssyncset.done $0x0  }
0x2c: {  	s18 =	sshra.s32 s18, $0x2;
	[sflag:s12] =	ssyncadd.s32 $0xFFFFF800  }
0x2d: {  	[tilespmem:s15], [sflag:$0x1] =	stream.indirect.gather [hbm4b:s4+s14], $0x10, s18, s14, $0xb8;
	[tilespmem:$0x7F80] =	vst v63  }
0x2e: {  	_ =	swait.ge [sflag:s16], $0x800  }
0x2f: {  	[sflag:s16] =	ssyncset.done $0x0  }
0x30: {  	s18 =	sadd.s32 $0x2800, s18;
	[sflag:s16] =	ssyncadd.s32 $0xFFFFF800  }
0x31: {  	[spmem:s2] =	stream.indirect.scatter.add.f32 [tilespmem:s15], [sflag:$0x2], $0x10, s18, s14, $0xb8;
	[tilespmem:$0x7F80] =	vst v63  }
0x32: {  	_ =	swait.ge [sflag:s12], $0x800  }
0x33: {  	s17 =	sadd.s32 $0x1, s17;
	[sflag:s12] =	ssyncset.done $0x0  }
0x34: {  	p0 =	sne.s32 s17, s10;
	[sflag:s12] =	ssyncadd.s32 $0xFFFFF800  }
.Ltmp1:
0x35: {  	[bflag:$0x0] =	sbarrier.arrive $0xFFFF;
	(pc) =	sbr.rel @p0 .LBB2_1-.Ltmp1, $4  }
0x36: {  	[hbm:s9], [sflag:s6] =	dma.local [spmem:s11], $0x4F0  }
0x37: {  	_ =	swait.ge [sflag:s12], $0x4F0  }
0x38: {  	[sflag:s12] =	ssyncset.done $0x0  }
0x39: {  	[sflag:s12] =	ssyncadd.s32 $0xFFFFFB10  }
0x3a: {  	_ =	sfence.sel $0x180000  }
0x3b: {  	[bflag:$0x0] =	sbarrier.arrive $0xFFFF  }
0x3c: {  	p0 =	sne.s32 s0, $0x0;
	_ =	strace $0x90000050  }
0x3d: {  	s0 =	sadd.s32 @!p0 $0x100000, s1;
	[bflag:$0x2] =	sbarrier.arrive $0xFFFF  }
0x3e: {  	[sflag:s0] =	ssyncadd.tile.s32 @!p0 $0x1;
	_ =	shalt  }
.Lfunc_end2:
_tile_overlayer_lowered:
.L_overlay_start_2:
0x3f: {  	(tag) =	ssettag $0x2  }
0x40: {  	s0 =	rddreg [dreg:$0x0];
	s2 =	stileid.u32  }
0x41: {  	s1 =	rddreg [dreg:$0x1];
	p0 =	sne.s32 s2, $0x0  }
0x42: {  	s3 =	rddreg [dreg:$0x2];
	[bflag:$0x3] =	sbarrier.arrive $0xFFFF;
	s2 =	simm.s32 @!p0 $0x1C02  }
0x43: {  	[timem:s3], [sflag:s2] =	dma.local @!p0 [hbm:s0], s1  }
0x44: {  	s0 =	simm.s32 @!p0 $0x2  }
0x45: {  	_ =	swait.ge @!p0 [sflag:s0], s1  }
0x46: {  	s1 =	ssub.s32 @!p0 $0x0, s1;
	[sflag:s0] =	ssyncset.done @!p0 $0x0  }
0x47: {  	[sflag:s0] =	ssyncadd.s32 @!p0 s1  }
0x48: {  	[bflag:$0x3] =	sbarrier.arrive $0xFFFF  }
0x49: {  	_ =	shalt  }

</sc_bundles>
